<compile_context>
chip_gen: v7x
topology: tpu7x:2x2x1
jax: 0.10.2.dev20260603
libtpu: 0.0.44.dev20260713+nightly
codegen_flags: <defaults>
</compile_context>

<pallas_src>
import functools

import jax
import jax.numpy as jnp
from jax import lax
from jax.experimental import pallas as pl
from jax.experimental.pallas import tpu as pltpu
from jax.experimental.pallas import tpu_sc as plsc

_PX = 640
_PY = 640
_P = _PX * _PY
_C = 64
_EPS = 1e-5
_NPAD = 102400
_WIN = 2048
_NWIN = _NPAD // _WIN
_R = 4
_CELLS = _P // _R
_NG = 4
_NWORK = 32
_UNITS_PER_W = _NG * _C * _R // _NWORK


def _stats_body(x_ref, o_ref):
    g = pl.program_id(0)
    wi = pl.program_id(1)
    blk = x_ref[0]
    m = blk[3:4]
    v = blk[0:3]
    q = jnp.concatenate([
        v * m,
        v[0:1] * v * m,
        v[1:2] * v[1:3] * m,
        v[2:3] * v[2:3] * m,
        m,
    ], axis=0)
    fsel = (g % 2).astype(jnp.float32)
    z2 = jnp.zeros((2, _WIN), jnp.float32)
    q24 = jnp.concatenate([q * (1.0 - fsel), z2, q * fsel, z2], axis=0)
    part = q24.reshape(24, _WIN // 128, 128).sum(axis=1)

    @pl.when(jnp.logical_and(g == 0, wi == 0))
    def _():
        o_ref[...] = part

    @pl.when(jnp.logical_not(jnp.logical_and(g == 0, wi == 0)))
    def _():
        o_ref[...] += part


def _run_stats(xpk):
    return pl.pallas_call(
        _stats_body,
        grid=(_NG, _NWIN),
        in_specs=[pl.BlockSpec((1, 8, _WIN), lambda g, w: (g, 0, w))],
        out_specs=pl.BlockSpec((24, 128), lambda g, w: (0, 0)),
        out_shape=jax.ShapeDtypeStruct((24, 128), jnp.float32),
    )(xpk)


def _emb_body(x_ref, w_ref, b_ref, o_ref):
    blk = x_ref[0]
    w = w_ref[0]
    bb = b_ref[0][:, 0:1]
    m = blk[3:4]
    h = lax.dot_general(w, blk, (((1,), (0,)), ((), ())),
                        preferred_element_type=jnp.float32)
    o_ref[0] = jnp.maximum(h + bb, 0.0) * m


def _run_emb(xpk, w2p, b2p):
    return pl.pallas_call(
        _emb_body,
        grid=(_NG, _NWIN),
        in_specs=[
            pl.BlockSpec((1, 8, _WIN), lambda g, w: (g, 0, w)),
            pl.BlockSpec((1, _C, 8), lambda g, w: (g, 0, 0)),
            pl.BlockSpec((1, _C, 128), lambda g, w: (g, 0, 0)),
        ],
        out_specs=pl.BlockSpec((1, _C, _WIN), lambda g, w: (g, 0, w)),
        out_shape=jax.ShapeDtypeStruct((_NG, _C, _NPAD), jnp.float32),
    )(xpk, w2p, b2p)


def _sc_scatter_body(emb_hbm, idx_hbm, out_hbm, dense, idxb, embb,
                     sem_i0, sem_i1, sem_e0, sem_e1):
    cid = lax.axis_index("c")
    sid = lax.axis_index("s")
    w = sid * 2 + cid
    sems_i = (sem_i0, sem_i1)
    sems_e = (sem_e0, sem_e1)

    def unit_body(j, _):
        u = w * _UNITS_PER_W + j
        g = u // (_C * _R)
        rem = u % (_C * _R)
        ch = rem // _R
        r = rem % _R
        lo = r * _CELLS

        def zero_body(k, _):
            z = jnp.zeros((16,), jnp.float32)
            for t in range(4):
                dense[pl.ds(k * 64 + t * 16, 16)] = z
            return 0

        lax.fori_loop(0, _CELLS // 64, zero_body, 0)

        def issue(wi, p):
            pltpu.async_copy(idx_hbm.at[g, pl.ds(wi * _WIN, _WIN)],
                             idxb.at[p], sems_i[p])
            pltpu.async_copy(emb_hbm.at[g, ch, pl.ds(wi * _WIN, _WIN)],
                             embb.at[p], sems_e[p])

        issue(0, 0)

        def win2_body(t, _):
            for p in (0, 1):
                wi = 2 * t + p

                @pl.when(wi + 1 < _NWIN)
                def _():
                    issue(wi + 1, 1 - p)

                pltpu.make_async_copy(idx_hbm.at[g, pl.ds(wi * _WIN, _WIN)],
                                      idxb.at[p], sems_i[p]).wait()
                pltpu.make_async_copy(emb_hbm.at[g, ch, pl.ds(wi * _WIN, _WIN)],
                                      embb.at[p], sems_e[p]).wait()

                def vec_body(k, _):
                    for t4 in range(8):
                        off = k * 128 + t4 * 16
                        iv = idxb[p, pl.ds(off, 16)]
                        ev = embb[p, pl.ds(off, 16)]
                        msk = jnp.logical_and(iv >= lo, iv < lo + _CELLS)
                        local = jnp.where(msk, iv - lo, 0)
                        plsc.addupdate_scatter(dense, [local], ev, mask=msk)
                    return 0

                lax.fori_loop(0, _WIN // 128, vec_body, 0)
            return 0

        lax.fori_loop(0, _NWIN // 2, win2_body, 0)
        pltpu.sync_copy(dense, out_hbm.at[g, ch, pl.ds(lo, _CELLS)])
        return 0

    lax.fori_loop(0, _UNITS_PER_W, unit_body, 0)


@functools.cache
def _sc_scatter():
    return pl.kernel(
        _sc_scatter_body,
        out_type=jax.ShapeDtypeStruct((_NG, _C, _P), jnp.float32),
        mesh=plsc.VectorSubcoreMesh(core_axis_name="c", subcore_axis_name="s"),
        compiler_params=pltpu.CompilerParams(needs_layout_passes=False),
        scratch_types=[
            pltpu.VMEM((_CELLS,), jnp.float32),
            pltpu.VMEM((2, _WIN), jnp.int32),
            pltpu.VMEM((2, _WIN), jnp.float32),
            pltpu.SemaphoreType.DMA,
            pltpu.SemaphoreType.DMA,
            pltpu.SemaphoreType.DMA,
            pltpu.SemaphoreType.DMA,
        ],
    )


def _fold_bn(sums, W, b, gamma, beta):
    sx = sums[0:3]
    M = jnp.stack([
        jnp.stack([sums[3], sums[4], sums[5]]),
        jnp.stack([sums[4], sums[6], sums[7]]),
        jnp.stack([sums[5], sums[7], sums[8]]),
    ])
    sm = sums[9]
    cnt = jnp.maximum(sm, 1.0)
    mh = (W @ sx + b * sm) / cnt
    eh2 = (jnp.einsum('ci,ij,cj->c', W, M, W)
           + 2.0 * b * (W @ sx) + b * b * sm) / cnt
    var = eh2 - mh * mh * (2.0 - sm / cnt)
    scale = gamma / jnp.sqrt(var + _EPS)
    W2 = W * scale[:, None]
    b2 = (b - mh) * scale + beta
    return W2, b2


def kernel(previous_pcl, previous_mask, previous_grid,
           current_pcl, current_mask, current_grid, W, b, gamma, beta):
    B, N, _ = previous_pcl.shape

    def pack(pcl, msk):
        xyz = jnp.transpose(pcl, (0, 2, 1))
        mrow = msk.astype(jnp.float32)[:, None, :]
        rows = jnp.concatenate(
            [xyz, mrow, jnp.zeros((B, 4, N), jnp.float32)], axis=1)
        return jnp.pad(rows, ((0, 0), (0, 0), (0, _NPAD - N)))

    pp = pack(previous_pcl, previous_mask)
    cp = pack(current_pcl, current_mask)
    xpk = jnp.stack([pp[0], cp[0], pp[1], cp[1]])

    pg = jnp.pad(previous_grid, ((0, 0), (0, _NPAD - N)))
    cg = jnp.pad(current_grid, ((0, 0), (0, _NPAD - N)))
    idx4 = jnp.stack([pg[0], cg[0], pg[1], cg[1]])

    stats = _run_stats(xpk).sum(axis=1)
    W2_prev, b2_prev = _fold_bn(stats[0:12], W, b, gamma, beta)
    W2_curr, b2_curr = _fold_bn(stats[12:24], W, b, gamma, beta)
    W2 = jnp.stack([W2_prev, W2_curr, W2_prev, W2_curr])
    b2 = jnp.stack([b2_prev, b2_curr, b2_prev, b2_curr])
    w2p = jnp.pad(W2, ((0, 0), (0, 0), (0, 5)))
    b2p = jnp.broadcast_to(b2[:, :, None], (_NG, _C, 128)) + 0.0

    emb_t = _run_emb(xpk, w2p, b2p)
    out = _sc_scatter()(emb_t, idx4)
    return out.reshape(2 * B, _C, _PX, _PY)

# --- scband reference (transcript-rebuilt; emitter-appended) ---
"""Pipeline reference for scband-encoder-71313636983306 (READ-ONLY COPY).

The authoritative reference and input builder live on the scoring server;
editing this copy changes nothing except your own understanding.
"""

import jax, jax.numpy as jnp
import numpy as np

P_X = 640
P_Y = 640
D_OUT = 64
EPS = 1e-5

def setup_inputs(seed: int = 0):
    key = jax.random.key(seed)
    ks = jax.random.split(key, 8)
    B, N = 2, 100000
    previous_pcl = jax.random.normal(ks[0], (B, N, 3), dtype=jnp.float32)
    current_pcl = jax.random.normal(ks[1], (B, N, 3), dtype=jnp.float32)
    previous_mask = jnp.ones((B, N), dtype=bool)
    current_mask = jnp.ones((B, N), dtype=bool)
    previous_grid = jax.random.randint(ks[2], (B, N), 0, P_X * P_Y, dtype=jnp.int32)
    current_grid = jax.random.randint(ks[3], (B, N), 0, P_X * P_Y, dtype=jnp.int32)
    # PointFeatureNet params: Linear(3 -> 64) + BatchNorm1d(64)
    W = jax.random.normal(ks[4], (D_OUT, 3), dtype=jnp.float32) * (1.0 / np.sqrt(3.0))
    b = jax.random.normal(ks[5], (D_OUT,), dtype=jnp.float32) * 0.01
    gamma = jnp.ones((D_OUT,), dtype=jnp.float32)
    beta = jnp.zeros((D_OUT,), dtype=jnp.float32)
    return {
        'previous_pcl': previous_pcl, 'previous_mask': previous_mask, 'previous_grid': previous_grid,
        'current_pcl': current_pcl, 'current_mask': current_mask, 'current_grid': current_grid,
        'W': W, 'b': b, 'gamma': gamma, 'beta': beta,
    }


def _point_feature_net(x_flat, mask_flat, W, b, gamma, beta):
    # Linear -> BatchNorm1d (training-mode batch stats over valid points) -> ReLU,
    # writing embeddings only at masked positions (zeros elsewhere), matching
    # batch_pc_embedding[mask] = net(pc[mask]).
    h = x_flat @ W.T + b
    m = mask_flat.astype(h.dtype)[:, None]
    cnt = jnp.maximum(jnp.sum(m), 1.0)
    mean = jnp.sum(h * m, axis=0) / cnt
    var = jnp.sum(((h - mean) ** 2) * m, axis=0) / cnt
    hn = (h - mean) / jnp.sqrt(var + EPS) * gamma + beta
    hn = jax.nn.relu(hn)
    return hn * m


def _scatter_pillars(emb, idx):
    # emb: [B, N, 64], idx: [B, N] in [0, P_X*P_Y)
    # grid.scatter_add_(1, idx.expand(..,..,64), emb)
    B, N, C = emb.shape
    grid = jnp.zeros((B, P_X * P_Y, C), dtype=emb.dtype)
    grid = grid.at[jnp.arange(B)[:, None], idx].add(emb)
    grid = jnp.transpose(grid, (0, 2, 1)).reshape(B, C, P_X, P_Y)
    return grid


def reference(previous_pcl, previous_mask, previous_grid, current_pcl, current_mask, current_grid, W, b, gamma, beta):
    B, N, _ = previous_pcl.shape
    prev_emb = _point_feature_net(previous_pcl.reshape(B * N, 3), previous_mask.reshape(B * N), W, b, gamma, beta).reshape(B, N, D_OUT)
    curr_emb = _point_feature_net(current_pcl.reshape(B * N, 3), current_mask.reshape(B * N), W, b, gamma, beta).reshape(B, N, D_OUT)
    prev_grid_emb = _scatter_pillars(prev_emb, previous_grid)
    curr_grid_emb = _scatter_pillars(curr_emb, current_grid)
    pillar_embeddings = jnp.stack((prev_grid_emb, curr_grid_emb), axis=1)
    pillar_embeddings = pillar_embeddings.reshape(2 * B, D_OUT, P_X, P_Y)
    return pillar_embeddings

if __name__ == "__main__":
    import jax
    _d = setup_inputs()
    print(jax.jit(kernel)(*tuple(_d.values())))

</pallas_src>

<mosaic_0001>
#map = affine_map<(d0, d1) -> (0, 0, 0)>
#map1 = affine_map<(d0, d1) -> (0, 0)>
module attributes {stable_mosaic.version = 14 : i64} {
  func.func @_sc_scatter_body(%arg0: i32, %arg1: i32, %arg2: memref<4x64x102400xf32, #tpu.memory_space<hbm>>, %arg3: memref<4x102400xi32, #tpu.memory_space<hbm>>, %arg4: memref<4x64x409600xf32, #tpu.memory_space<hbm>>, %arg5: memref<102400xf32, #tpu.memory_space<vmem>>, %arg6: memref<2x2048xi32, #tpu.memory_space<vmem>>, %arg7: memref<2x2048xf32, #tpu.memory_space<vmem>>, %arg8: memref<!tpu.dma_semaphore, #tpu.memory_space<semaphore_mem>>, %arg9: memref<!tpu.dma_semaphore, #tpu.memory_space<semaphore_mem>>, %arg10: memref<!tpu.dma_semaphore, #tpu.memory_space<semaphore_mem>>, %arg11: memref<!tpu.dma_semaphore, #tpu.memory_space<semaphore_mem>>) attributes {dimension_semantics = [#tpu.dimension_semantics<core_parallel>, #tpu.dimension_semantics<subcore_parallel>], iteration_bounds = array<i64: 2, 16>, scalar_prefetch = 0 : i64, scratch_operands = 7 : i64, tpu.core_type = #tpu.core_type<sc_vector_subcore>, window_params = [{transform_indices = #map}, {transform_indices = #map1}, {transform_indices = #map}]} {
    %mul3A = arith.constant 2 : i32
    %mul3A_0 = arith.muli %arg1, %mul3A : i32
    %add3A = arith.addi %mul3A_0, %arg0 : i32
    %scan3A = arith.constant 0 : i32
    %scan3A_1 = arith.constant 0 : i32
    %scan3A_2 = arith.constant 32 : i32
    %scan3A_3 = arith.addi %scan3A_1, %scan3A_2 : i32
    %scan3A_4 = arith.constant 1 : i32
    %scan3A_5 = scf.for %scan3A_7 = %scan3A_1 to %scan3A_3 step %scan3A_4 iter_args(%scan3A_8 = %scan3A) -> (i32)  : i32 {
      %mul3A_9 = arith.constant 32 : i32
      %mul3A_10 = arith.muli %add3A, %mul3A_9 : i32
      %add3A_11 = arith.addi %mul3A_10, %scan3A_7 : i32
      %jit3A = arith.constant 256 : i32
      %div3A = arith.divsi %add3A_11, %jit3A : i32
      %sign3A = arith.constant 0 : i32
      %sign3A_12 = arith.cmpi sgt, %add3A_11, %sign3A : i32
      %sign3A_13 = arith.extui %sign3A_12 : i1 to i32
      %sign3A_14 = arith.constant 0 : i32
      %sign3A_15 = arith.cmpi slt, %add3A_11, %sign3A_14 : i32
      %sign3A_16 = arith.extui %sign3A_15 : i1 to i32
      %sign3A_17 = arith.subi %sign3A_13, %sign3A_16 : i32
      %sign3A_18 = arith.constant 0 : i32
      %sign3A_19 = arith.cmpi sgt, %jit3A, %sign3A_18 : i32
      %sign3A_20 = arith.extui %sign3A_19 : i1 to i32
      %sign3A_21 = arith.constant 0 : i32
      %sign3A_22 = arith.cmpi slt, %jit3A, %sign3A_21 : i32
      %sign3A_23 = arith.extui %sign3A_22 : i1 to i32
      %sign3A_24 = arith.subi %sign3A_20, %sign3A_23 : i32
      %ne3A = arith.cmpi ne, %sign3A_17, %sign3A_24 : i32
      %rem3A = arith.remsi %add3A_11, %jit3A : i32
      %ne3A_25 = arith.constant 0 : i32
      %ne3A_26 = arith.cmpi ne, %rem3A, %ne3A_25 : i32
      %and3A = arith.andi %ne3A, %ne3A_26 : i1
      %sub3A = arith.constant 1 : i32
      %sub3A_27 = arith.subi %div3A, %sub3A : i32
      %select_n3A = arith.select %and3A, %sub3A_27, %div3A : i32
      %jit3A_28 = arith.constant 256 : i32
      %eq3A = arith.constant 0 : i32
      %eq3A_29 = arith.cmpi eq, %jit3A_28, %eq3A : i32
      %jit3A_30 = arith.constant 1 : i32
      %select_n3A_31 = arith.select %eq3A_29, %jit3A_30, %jit3A_28 : i32
      %rem3A_32 = arith.remsi %add3A_11, %select_n3A_31 : i32
      %ne3A_33 = arith.constant 0 : i32
      %ne3A_34 = arith.cmpi ne, %rem3A_32, %ne3A_33 : i32
      %lt3A = arith.constant 0 : i32
      %lt3A_35 = arith.cmpi slt, %rem3A_32, %lt3A : i32
      %lt3A_36 = arith.constant 0 : i32
      %lt3A_37 = arith.cmpi slt, %select_n3A_31, %lt3A_36 : i32
      %ne3A_38 = arith.xori %lt3A_35, %lt3A_37 : i1
      %and3A_39 = arith.andi %ne3A_38, %ne3A_34 : i1
      %add3A_40 = arith.addi %rem3A_32, %select_n3A_31 : i32
      %select_n3A_41 = arith.select %and3A_39, %add3A_40, %rem3A_32 : i32
      %jit3A_42 = arith.constant 4 : i32
      %div3A_43 = arith.divsi %select_n3A_41, %jit3A_42 : i32
      %sign3A_44 = arith.constant 0 : i32
      %sign3A_45 = arith.cmpi sgt, %select_n3A_41, %sign3A_44 : i32
      %sign3A_46 = arith.extui %sign3A_45 : i1 to i32
      %sign3A_47 = arith.constant 0 : i32
      %sign3A_48 = arith.cmpi slt, %select_n3A_41, %sign3A_47 : i32
      %sign3A_49 = arith.extui %sign3A_48 : i1 to i32
      %sign3A_50 = arith.subi %sign3A_46, %sign3A_49 : i32
      %sign3A_51 = arith.constant 0 : i32
      %sign3A_52 = arith.cmpi sgt, %jit3A_42, %sign3A_51 : i32
      %sign3A_53 = arith.extui %sign3A_52 : i1 to i32
      %sign3A_54 = arith.constant 0 : i32
      %sign3A_55 = arith.cmpi slt, %jit3A_42, %sign3A_54 : i32
      %sign3A_56 = arith.extui %sign3A_55 : i1 to i32
      %sign3A_57 = arith.subi %sign3A_53, %sign3A_56 : i32
      %ne3A_58 = arith.cmpi ne, %sign3A_50, %sign3A_57 : i32
      %rem3A_59 = arith.remsi %select_n3A_41, %jit3A_42 : i32
      %ne3A_60 = arith.constant 0 : i32
      %ne3A_61 = arith.cmpi ne, %rem3A_59, %ne3A_60 : i32
      %and3A_62 = arith.andi %ne3A_58, %ne3A_61 : i1
      %sub3A_63 = arith.constant 1 : i32
      %sub3A_64 = arith.subi %div3A_43, %sub3A_63 : i32
      %select_n3A_65 = arith.select %and3A_62, %sub3A_64, %div3A_43 : i32
      %jit3A_66 = arith.constant 4 : i32
      %eq3A_67 = arith.constant 0 : i32
      %eq3A_68 = arith.cmpi eq, %jit3A_66, %eq3A_67 : i32
      %jit3A_69 = arith.constant 1 : i32
      %select_n3A_70 = arith.select %eq3A_68, %jit3A_69, %jit3A_66 : i32
      %rem3A_71 = arith.remsi %select_n3A_41, %select_n3A_70 : i32
      %ne3A_72 = arith.constant 0 : i32
      %ne3A_73 = arith.cmpi ne, %rem3A_71, %ne3A_72 : i32
      %lt3A_74 = arith.constant 0 : i32
      %lt3A_75 = arith.cmpi slt, %rem3A_71, %lt3A_74 : i32
      %lt3A_76 = arith.constant 0 : i32
      %lt3A_77 = arith.cmpi slt, %select_n3A_70, %lt3A_76 : i32
      %ne3A_78 = arith.xori %lt3A_75, %lt3A_77 : i1
      %and3A_79 = arith.andi %ne3A_78, %ne3A_73 : i1
      %add3A_80 = arith.addi %rem3A_71, %select_n3A_70 : i32
      %select_n3A_81 = arith.select %and3A_79, %add3A_80, %rem3A_71 : i32
      %mul3A_82 = arith.constant 102400 : i32
      %mul3A_83 = arith.muli %select_n3A_81, %mul3A_82 : i32
      %scan3A_84 = arith.constant 0 : i32
      %scan3A_85 = arith.constant 0 : i32
      %scan3A_86 = arith.constant 1600 : i32
      %scan3A_87 = arith.addi %scan3A_85, %scan3A_86 : i32
      %scan3A_88 = arith.constant 1 : i32
      %scan3A_89 = scf.for %scan3A_124 = %scan3A_85 to %scan3A_87 step %scan3A_88 iter_args(%scan3A_125 = %scan3A_84) -> (i32)  : i32 {
        %broadcast_in_dim3A = arith.constant 0.000000e+00 : f32
        %broadcast_in_dim3A_126 = vector.broadcast %broadcast_in_dim3A : f32 to vector<16xf32>
        %mul3A_127 = arith.constant 64 : i32
        %mul3A_128 = arith.muli %scan3A_124, %mul3A_127 : i32
        %add3A_129 = arith.constant 0 : i32
        %add3A_130 = arith.addi %mul3A_128, %add3A_129 : i32
        %swap3A = arith.index_cast %add3A_130 : i32 to index
        %swap3A_131 = tpu.vector_load %arg5[%swap3A] {strides = array<i32>} : memref<102400xf32, #tpu.memory_space<vmem>>, vector<16xf32>,
        tpu.vector_store %arg5[%swap3A], %broadcast_in_dim3A_126 {strides = array<i32>} : memref<102400xf32, #tpu.memory_space<vmem>>, vector<16xf32>,
        %mul3A_132 = arith.constant 64 : i32
        %mul3A_133 = arith.muli %scan3A_124, %mul3A_132 : i32
        %add3A_134 = arith.constant 16 : i32
        %add3A_135 = arith.addi %mul3A_133, %add3A_134 : i32
        %swap3A_136 = arith.index_cast %add3A_135 : i32 to index
        %swap3A_137 = tpu.vector_load %arg5[%swap3A_136] {strides = array<i32>} : memref<102400xf32, #tpu.memory_space<vmem>>, vector<16xf32>,
        tpu.vector_store %arg5[%swap3A_136], %broadcast_in_dim3A_126 {strides = array<i32>} : memref<102400xf32, #tpu.memory_space<vmem>>, vector<16xf32>,
        %mul3A_138 = arith.constant 64 : i32
        %mul3A_139 = arith.muli %scan3A_124, %mul3A_138 : i32
        %add3A_140 = arith.constant 32 : i32
        %add3A_141 = arith.addi %mul3A_139, %add3A_140 : i32
        %swap3A_142 = arith.index_cast %add3A_141 : i32 to index
        %swap3A_143 = tpu.vector_load %arg5[%swap3A_142] {strides = array<i32>} : memref<102400xf32, #tpu.memory_space<vmem>>, vector<16xf32>,
        tpu.vector_store %arg5[%swap3A_142], %broadcast_in_dim3A_126 {strides = array<i32>} : memref<102400xf32, #tpu.memory_space<vmem>>, vector<16xf32>,
        %mul3A_144 = arith.constant 64 : i32
        %mul3A_145 = arith.muli %scan3A_124, %mul3A_144 : i32
        %add3A_146 = arith.constant 48 : i32
        %add3A_147 = arith.addi %mul3A_145, %add3A_146 : i32
        %swap3A_148 = arith.index_cast %add3A_147 : i32 to index
        %swap3A_149 = tpu.vector_load %arg5[%swap3A_148] {strides = array<i32>} : memref<102400xf32, #tpu.memory_space<vmem>>, vector<16xf32>,
        tpu.vector_store %arg5[%swap3A_148], %broadcast_in_dim3A_126 {strides = array<i32>} : memref<102400xf32, #tpu.memory_space<vmem>>, vector<16xf32>,
        %scan3A_150 = arith.constant 0 : i32
        scf.yield %scan3A_150 : i32
      }
      %scan3A_90 = arith.constant 1600 : i32
      %dma_start3A = arith.constant 0 : i32
      %dma_start3A_91 = arith.constant 0 : i32
      %dma_start3A_92 = tpu.memref_slice %arg6[%dma_start3A, %dma_start3A_91] : memref<2x2048xi32, #tpu.memory_space<vmem>> -> memref<1x2048xi32, #tpu.memory_space<vmem>>
      %dma_start3A_93 = tpu.memref_squeeze %dma_start3A_92 : memref<1x2048xi32, #tpu.memory_space<vmem>> -> memref<2048xi32, #tpu.memory_space<vmem>>
      %dma_start3A_94 = arith.constant 0 : i32
      %dma_start3A_95 = tpu.memref_slice %arg3[%select_n3A, %dma_start3A_94] : memref<4x102400xi32, #tpu.memory_space<hbm>> -> memref<1x2048xi32, #tpu.memory_space<hbm>>
      %dma_start3A_96 = tpu.memref_squeeze %dma_start3A_95 : memref<1x2048xi32, #tpu.memory_space<hbm>> -> memref<2048xi32, #tpu.memory_space<hbm>>
      %dma_start3A_97 = arith.constant 0 : i32
      %dma_start3A_98 = tpu.memref_slice %arg6[%dma_start3A, %dma_start3A_97] : memref<2x2048xi32, #tpu.memory_space<vmem>> -> memref<1x2048xi32, #tpu.memory_space<vmem>>
      %dma_start3A_99 = tpu.memref_squeeze %dma_start3A_98 : memref<1x2048xi32, #tpu.memory_space<vmem>> -> memref<2048xi32, #tpu.memory_space<vmem>>
      %dma_start3A_100 = arith.constant 0 : i32
      %dma_start3A_101 = tpu.memref_slice %arg3[%select_n3A, %dma_start3A_100] : memref<4x102400xi32, #tpu.memory_space<hbm>> -> memref<1x2048xi32, #tpu.memory_space<hbm>>
      %dma_start3A_102 = tpu.memref_squeeze %dma_start3A_101 : memref<1x2048xi32, #tpu.memory_space<hbm>> -> memref<2048xi32, #tpu.memory_space<hbm>>
      tpu.enqueue_dma source(%dma_start3A_102 : memref<2048xi32, #tpu.memory_space<hbm>>) target(%dma_start3A_99 : memref<2048xi32, #tpu.memory_space<vmem>>) target_semaphore(%arg8 : memref<!tpu.dma_semaphore, #tpu.memory_space<semaphore_mem>>)
      %dma_start3A_103 = arith.constant 0 : i32
      %dma_start3A_104 = arith.constant 0 : i32
      %dma_start3A_105 = tpu.memref_slice %arg7[%dma_start3A_103, %dma_start3A_104] : memref<2x2048xf32, #tpu.memory_space<vmem>> -> memref<1x2048xf32, #tpu.memory_space<vmem>>
      %dma_start3A_106 = tpu.memref_squeeze %dma_start3A_105 : memref<1x2048xf32, #tpu.memory_space<vmem>> -> memref<2048xf32, #tpu.memory_space<vmem>>
      %dma_start3A_107 = arith.constant 0 : i32
      %dma_start3A_108 = tpu.memref_slice %arg2[%select_n3A, %select_n3A_65, %dma_start3A_107] : memref<4x64x102400xf32, #tpu.memory_space<hbm>> -> memref<1x1x2048xf32, #tpu.memory_space<hbm>>
      %dma_start3A_109 = tpu.memref_squeeze %dma_start3A_108 : memref<1x1x2048xf32, #tpu.memory_space<hbm>> -> memref<2048xf32, #tpu.memory_space<hbm>>
      %dma_start3A_110 = arith.constant 0 : i32
      %dma_start3A_111 = tpu.memref_slice %arg7[%dma_start3A_103, %dma_start3A_110] : memref<2x2048xf32, #tpu.memory_space<vmem>> -> memref<1x2048xf32, #tpu.memory_space<vmem>>
      %dma_start3A_112 = tpu.memref_squeeze %dma_start3A_111 : memref<1x2048xf32, #tpu.memory_space<vmem>> -> memref<2048xf32, #tpu.memory_space<vmem>>
      %dma_start3A_113 = arith.constant 0 : i32
      %dma_start3A_114 = tpu.memref_slice %arg2[%select_n3A, %select_n3A_65, %dma_start3A_113] : memref<4x64x102400xf32, #tpu.memory_space<hbm>> -> memref<1x1x2048xf32, #tpu.memory_space<hbm>>
      %dma_start3A_115 = tpu.memref_squeeze %dma_start3A_114 : memref<1x1x2048xf32, #tpu.memory_space<hbm>> -> memref<2048xf32, #tpu.memory_space<hbm>>
      tpu.enqueue_dma source(%dma_start3A_115 : memref<2048xf32, #tpu.memory_space<hbm>>) target(%dma_start3A_112 : memref<2048xf32, #tpu.memory_space<vmem>>) target_semaphore(%arg10 : memref<!tpu.dma_semaphore, #tpu.memory_space<semaphore_mem>>)
      %scan3A_116 = arith.constant 0 : i32
      %scan3A_117 = arith.constant 0 : i32
      %scan3A_118 = arith.constant 25 : i32
      %scan3A_119 = arith.addi %scan3A_117, %scan3A_118 : i32
      %scan3A_120 = arith.constant 1 : i32
      %scan3A_121 = scf.for %scan3A_124 = %scan3A_117 to %scan3A_119 step %scan3A_120 iter_args(%scan3A_125 = %scan3A_116) -> (i32)  : i32 {
        %mul3A_126 = arith.constant 2 : i32
        %mul3A_127 = arith.muli %mul3A_126, %scan3A_124 : i32
        %add3A_128 = arith.constant 0 : i32
        %add3A_129 = arith.addi %mul3A_127, %add3A_128 : i32
        %add3A_130 = arith.constant 1 : i32
        %add3A_131 = arith.addi %add3A_129, %add3A_130 : i32
        %lt3A_132 = arith.constant 50 : i32
        %lt3A_133 = arith.cmpi slt, %add3A_131, %lt3A_132 : i32
        %convert_element_type3A = arith.extui %lt3A_133 : i1 to i32
        %cond3A = arith.constant 0 : i32
        %cond3A_134 = arith.cmpi ne, %convert_element_type3A, %cond3A : i32
        scf.if %cond3A_134 {
          %add3A_212 = arith.constant 1 : i32
          %add3A_213 = arith.addi %add3A_129, %add3A_212 : i32
          %mul3A_214 = arith.constant 2048 : i32
          %mul3A_215 = arith.muli %add3A_213, %mul3A_214 : i32
          %dma_start3A_216 = arith.constant 1 : i32
          %dma_start3A_217 = arith.constant 0 : i32
          %dma_start3A_218 = tpu.memref_slice %arg6[%dma_start3A_216, %dma_start3A_217] : memref<2x2048xi32, #tpu.memory_space<vmem>> -> memref<1x2048xi32, #tpu.memory_space<vmem>>
          %dma_start3A_219 = tpu.memref_squeeze %dma_start3A_218 : memref<1x2048xi32, #tpu.memory_space<vmem>> -> memref<2048xi32, #tpu.memory_space<vmem>>
          %dma_start3A_220 = tpu.memref_slice %arg3[%select_n3A, %mul3A_215] : memref<4x102400xi32, #tpu.memory_space<hbm>> -> memref<1x2048xi32, #tpu.memory_space<hbm>>
          %dma_start3A_221 = tpu.memref_squeeze %dma_start3A_220 : memref<1x2048xi32, #tpu.memory_space<hbm>> -> memref<2048xi32, #tpu.memory_space<hbm>>
          %dma_start3A_222 = arith.constant 0 : i32
          %dma_start3A_223 = tpu.memref_slice %arg6[%dma_start3A_216, %dma_start3A_222] : memref<2x2048xi32, #tpu.memory_space<vmem>> -> memref<1x2048xi32, #tpu.memory_space<vmem>>
          %dma_start3A_224 = tpu.memref_squeeze %dma_start3A_223 : memref<1x2048xi32, #tpu.memory_space<vmem>> -> memref<2048xi32, #tpu.memory_space<vmem>>
          %dma_start3A_225 = tpu.memref_slice %arg3[%select_n3A, %mul3A_215] : memref<4x102400xi32, #tpu.memory_space<hbm>> -> memref<1x2048xi32, #tpu.memory_space<hbm>>
          %dma_start3A_226 = tpu.memref_squeeze %dma_start3A_225 : memref<1x2048xi32, #tpu.memory_space<hbm>> -> memref<2048xi32, #tpu.memory_space<hbm>>
          tpu.enqueue_dma source(%dma_start3A_226 : memref<2048xi32, #tpu.memory_space<hbm>>) target(%dma_start3A_224 : memref<2048xi32, #tpu.memory_space<vmem>>) target_semaphore(%arg9 : memref<!tpu.dma_semaphore, #tpu.memory_space<semaphore_mem>>)
          %mul3A_227 = arith.constant 2048 : i32
          %mul3A_228 = arith.muli %add3A_213, %mul3A_227 : i32
          %dma_start3A_229 = arith.constant 1 : i32
          %dma_start3A_230 = arith.constant 0 : i32
          %dma_start3A_231 = tpu.memref_slice %arg7[%dma_start3A_229, %dma_start3A_230] : memref<2x2048xf32, #tpu.memory_space<vmem>> -> memref<1x2048xf32, #tpu.memory_space<vmem>>
          %dma_start3A_232 = tpu.memref_squeeze %dma_start3A_231 : memref<1x2048xf32, #tpu.memory_space<vmem>> -> memref<2048xf32, #tpu.memory_space<vmem>>
          %dma_start3A_233 = tpu.memref_slice %arg2[%select_n3A, %select_n3A_65, %mul3A_228] : memref<4x64x102400xf32, #tpu.memory_space<hbm>> -> memref<1x1x2048xf32, #tpu.memory_space<hbm>>
          %dma_start3A_234 = tpu.memref_squeeze %dma_start3A_233 : memref<1x1x2048xf32, #tpu.memory_space<hbm>> -> memref<2048xf32, #tpu.memory_space<hbm>>
          %dma_start3A_235 = arith.constant 0 : i32
          %dma_start3A_236 = tpu.memref_slice %arg7[%dma_start3A_229, %dma_start3A_235] : memref<2x2048xf32, #tpu.memory_space<vmem>> -> memref<1x2048xf32, #tpu.memory_space<vmem>>
          %dma_start3A_237 = tpu.memref_squeeze %dma_start3A_236 : memref<1x2048xf32, #tpu.memory_space<vmem>> -> memref<2048xf32, #tpu.memory_space<vmem>>
          %dma_start3A_238 = tpu.memref_slice %arg2[%select_n3A, %select_n3A_65, %mul3A_228] : memref<4x64x102400xf32, #tpu.memory_space<hbm>> -> memref<1x1x2048xf32, #tpu.memory_space<hbm>>
          %dma_start3A_239 = tpu.memref_squeeze %dma_start3A_238 : memref<1x1x2048xf32, #tpu.memory_space<hbm>> -> memref<2048xf32, #tpu.memory_space<hbm>>
          tpu.enqueue_dma source(%dma_start3A_239 : memref<2048xf32, #tpu.memory_space<hbm>>) target(%dma_start3A_237 : memref<2048xf32, #tpu.memory_space<vmem>>) target_semaphore(%arg11 : memref<!tpu.dma_semaphore, #tpu.memory_space<semaphore_mem>>)
        } else {
        }
        %mul3A_135 = arith.constant 2048 : i32
        %mul3A_136 = arith.muli %add3A_129, %mul3A_135 : i32
        %dma_wait3A = arith.constant 0 : i32
        %dma_wait3A_137 = arith.constant 0 : i32
        %dma_wait3A_138 = tpu.memref_slice %arg6[%dma_wait3A, %dma_wait3A_137] : memref<2x2048xi32, #tpu.memory_space<vmem>> -> memref<1x2048xi32, #tpu.memory_space<vmem>>
        %dma_wait3A_139 = tpu.memref_squeeze %dma_wait3A_138 : memref<1x2048xi32, #tpu.memory_space<vmem>> -> memref<2048xi32, #tpu.memory_space<vmem>>
        %dma_wait3A_140 = tpu.memref_slice %arg3[%select_n3A, %mul3A_136] : memref<4x102400xi32, #tpu.memory_space<hbm>> -> memref<1x2048xi32, #tpu.memory_space<hbm>>
        %dma_wait3A_141 = tpu.memref_squeeze %dma_wait3A_140 : memref<1x2048xi32, #tpu.memory_space<hbm>> -> memref<2048xi32, #tpu.memory_space<hbm>>
        %dma_wait3A_142 = arith.constant 0 : i32
        %dma_wait3A_143 = tpu.memref_slice %arg6[%dma_wait3A, %dma_wait3A_142] : memref<2x2048xi32, #tpu.memory_space<vmem>> -> memref<1x2048xi32, #tpu.memory_space<vmem>>
        %dma_wait3A_144 = tpu.memref_squeeze %dma_wait3A_143 : memref<1x2048xi32, #tpu.memory_space<vmem>> -> memref<2048xi32, #tpu.memory_space<vmem>>
        %dma_wait3A_145 = tpu.memref_slice %arg3[%select_n3A, %mul3A_136] : memref<4x102400xi32, #tpu.memory_space<hbm>> -> memref<1x2048xi32, #tpu.memory_space<hbm>>
        %dma_wait3A_146 = tpu.memref_squeeze %dma_wait3A_145 : memref<1x2048xi32, #tpu.memory_space<hbm>> -> memref<2048xi32, #tpu.memory_space<hbm>>
        tpu.wait_dma2 semaphore(%arg8 : memref<!tpu.dma_semaphore, #tpu.memory_space<semaphore_mem>>) src(%dma_wait3A_146 : memref<2048xi32, #tpu.memory_space<hbm>>) dst(%dma_wait3A_144 : memref<2048xi32, #tpu.memory_space<vmem>>)
        %mul3A_147 = arith.constant 2048 : i32
        %mul3A_148 = arith.muli %add3A_129, %mul3A_147 : i32
        %dma_wait3A_149 = arith.constant 0 : i32
        %dma_wait3A_150 = arith.constant 0 : i32
        %dma_wait3A_151 = tpu.memref_slice %arg7[%dma_wait3A_149, %dma_wait3A_150] : memref<2x2048xf32, #tpu.memory_space<vmem>> -> memref<1x2048xf32, #tpu.memory_space<vmem>>
        %dma_wait3A_152 = tpu.memref_squeeze %dma_wait3A_151 : memref<1x2048xf32, #tpu.memory_space<vmem>> -> memref<2048xf32, #tpu.memory_space<vmem>>
        %dma_wait3A_153 = tpu.memref_slice %arg2[%select_n3A, %select_n3A_65, %mul3A_148] : memref<4x64x102400xf32, #tpu.memory_space<hbm>> -> memref<1x1x2048xf32, #tpu.memory_space<hbm>>
        %dma_wait3A_154 = tpu.memref_squeeze %dma_wait3A_153 : memref<1x1x2048xf32, #tpu.memory_space<hbm>> -> memref<2048xf32, #tpu.memory_space<hbm>>
        %dma_wait3A_155 = arith.constant 0 : i32
        %dma_wait3A_156 = tpu.memref_slice %arg7[%dma_wait3A_149, %dma_wait3A_155] : memref<2x2048xf32, #tpu.memory_space<vmem>> -> memref<1x2048xf32, #tpu.memory_space<vmem>>
        %dma_wait3A_157 = tpu.memref_squeeze %dma_wait3A_156 : memref<1x2048xf32, #tpu.memory_space<vmem>> -> memref<2048xf32, #tpu.memory_space<vmem>>
        %dma_wait3A_158 = tpu.memref_slice %arg2[%select_n3A, %select_n3A_65, %mul3A_148] : memref<4x64x102400xf32, #tpu.memory_space<hbm>> -> memref<1x1x2048xf32, #tpu.memory_space<hbm>>
        %dma_wait3A_159 = tpu.memref_squeeze %dma_wait3A_158 : memref<1x1x2048xf32, #tpu.memory_space<hbm>> -> memref<2048xf32, #tpu.memory_space<hbm>>
        tpu.wait_dma2 semaphore(%arg10 : memref<!tpu.dma_semaphore, #tpu.memory_space<semaphore_mem>>) src(%dma_wait3A_159 : memref<2048xf32, #tpu.memory_space<hbm>>) dst(%dma_wait3A_157 : memref<2048xf32, #tpu.memory_space<vmem>>)
        %scan3A_160 = arith.constant 0 : i32
        %scan3A_161 = arith.constant 0 : i32
        %scan3A_162 = arith.constant 16 : i32
        %scan3A_163 = arith.addi %scan3A_161, %scan3A_162 : i32
        %scan3A_164 = arith.constant 1 : i32
        %scan3A_165 = scf.for %scan3A_212 = %scan3A_161 to %scan3A_163 step %scan3A_164 iter_args(%scan3A_213 = %scan3A_160) -> (i32)  : i32 {
          %mul3A_214 = arith.constant 128 : i32
          %mul3A_215 = arith.muli %scan3A_212, %mul3A_214 : i32
          %add3A_216 = arith.constant 0 : i32
          %add3A_217 = arith.addi %mul3A_215, %add3A_216 : i32
          %get3A = arith.constant 0 : i32
          %get3A_218 = arith.index_cast %get3A : i32 to index
          %get3A_219 = arith.index_cast %add3A_217 : i32 to index
          %get3A_220 = tpu.vector_load %arg6[%get3A_218, %get3A_219] {strides = array<i32>} : memref<2x2048xi32, #tpu.memory_space<vmem>>, vector<16xi32>,
          %get3A_221 = arith.constant 0 : i32
          %get3A_222 = arith.index_cast %get3A_221 : i32 to index
          %get3A_223 = arith.index_cast %add3A_217 : i32 to index
          %get3A_224 = tpu.vector_load %arg7[%get3A_222, %get3A_223] {strides = array<i32>} : memref<2x2048xf32, #tpu.memory_space<vmem>>, vector<16xf32>,
          %ge3A = vector.broadcast %mul3A_83 : i32 to vector<16xi32>
          %ge3A_225 = arith.cmpi sge, %get3A_220, %ge3A : vector<16xi32>
          %add3A_226 = arith.constant 102400 : i32
          %add3A_227 = arith.addi %mul3A_83, %add3A_226 : i32
          %lt3A_228 = vector.broadcast %add3A_227 : i32 to vector<16xi32>
          %lt3A_229 = arith.cmpi slt, %get3A_220, %lt3A_228 : vector<16xi32>
          %and3A_230 = arith.andi %ge3A_225, %lt3A_229 : vector<16xi1>
          %sub3A_231 = vector.broadcast %mul3A_83 : i32 to vector<16xi32>
          %sub3A_232 = arith.subi %get3A_220, %sub3A_231 : vector<16xi32>
          %jit3A_233 = arith.constant 0 : i32
          %broadcast_in_dim3A = vector.broadcast %jit3A_233 : i32 to vector<16xi32>
          %select_n3A_234 = arith.select %and3A_230, %sub3A_232, %broadcast_in_dim3A : vector<16xi1>, vector<16xi32>
          tpu.vector_store_idx %arg5[%select_n3A_234], %get3A_224 masked %and3A_230 {add = true} : memref<102400xf32, #tpu.memory_space<vmem>>[vector<16xi32>], vector<16xf32>, vector<16xi1>
          %mul3A_235 = arith.constant 128 : i32
          %mul3A_236 = arith.muli %scan3A_212, %mul3A_235 : i32
          %add3A_237 = arith.constant 16 : i32
          %add3A_238 = arith.addi %mul3A_236, %add3A_237 : i32
          %get3A_239 = arith.constant 0 : i32
          %get3A_240 = arith.index_cast %get3A_239 : i32 to index
          %get3A_241 = arith.index_cast %add3A_238 : i32 to index
          %get3A_242 = tpu.vector_load %arg6[%get3A_240, %get3A_241] {strides = array<i32>} : memref<2x2048xi32, #tpu.memory_space<vmem>>, vector<16xi32>,
          %get3A_243 = arith.constant 0 : i32
          %get3A_244 = arith.index_cast %get3A_243 : i32 to index
          %get3A_245 = arith.index_cast %add3A_238 : i32 to index
          %get3A_246 = tpu.vector_load %arg7[%get3A_244, %get3A_245] {strides = array<i32>} : memref<2x2048xf32, #tpu.memory_space<vmem>>, vector<16xf32>,
          %ge3A_247 = vector.broadcast %mul3A_83 : i32 to vector<16xi32>
          %ge3A_248 = arith.cmpi sge, %get3A_242, %ge3A_247 : vector<16xi32>
          %add3A_249 = arith.constant 102400 : i32
          %add3A_250 = arith.addi %mul3A_83, %add3A_249 : i32
          %lt3A_251 = vector.broadcast %add3A_250 : i32 to vector<16xi32>
          %lt3A_252 = arith.cmpi slt, %get3A_242, %lt3A_251 : vector<16xi32>
          %and3A_253 = arith.andi %ge3A_248, %lt3A_252 : vector<16xi1>
          %sub3A_254 = vector.broadcast %mul3A_83 : i32 to vector<16xi32>
          %sub3A_255 = arith.subi %get3A_242, %sub3A_254 : vector<16xi32>
          %jit3A_256 = arith.constant 0 : i32
          %broadcast_in_dim3A_257 = vector.broadcast %jit3A_256 : i32 to vector<16xi32>
          %select_n3A_258 = arith.select %and3A_253, %sub3A_255, %broadcast_in_dim3A_257 : vector<16xi1>, vector<16xi32>
          tpu.vector_store_idx %arg5[%select_n3A_258], %get3A_246 masked %and3A_253 {add = true} : memref<102400xf32, #tpu.memory_space<vmem>>[vector<16xi32>], vector<16xf32>, vector<16xi1>
          %mul3A_259 = arith.constant 128 : i32
          %mul3A_260 = arith.muli %scan3A_212, %mul3A_259 : i32
          %add3A_261 = arith.constant 32 : i32
          %add3A_262 = arith.addi %mul3A_260, %add3A_261 : i32
          %get3A_263 = arith.constant 0 : i32
          %get3A_264 = arith.index_cast %get3A_263 : i32 to index
          %get3A_265 = arith.index_cast %add3A_262 : i32 to index
          %get3A_266 = tpu.vector_load %arg6[%get3A_264, %get3A_265] {strides = array<i32>} : memref<2x2048xi32, #tpu.memory_space<vmem>>, vector<16xi32>,
          %get3A_267 = arith.constant 0 : i32
          %get3A_268 = arith.index_cast %get3A_267 : i32 to index
          %get3A_269 = arith.index_cast %add3A_262 : i32 to index
          %get3A_270 = tpu.vector_load %arg7[%get3A_268, %get3A_269] {strides = array<i32>} : memref<2x2048xf32, #tpu.memory_space<vmem>>, vector<16xf32>,
          %ge3A_271 = vector.broadcast %mul3A_83 : i32 to vector<16xi32>
          %ge3A_272 = arith.cmpi sge, %get3A_266, %ge3A_271 : vector<16xi32>
          %add3A_273 = arith.constant 102400 : i32
          %add3A_274 = arith.addi %mul3A_83, %add3A_273 : i32
          %lt3A_275 = vector.broadcast %add3A_274 : i32 to vector<16xi32>
          %lt3A_276 = arith.cmpi slt, %get3A_266, %lt3A_275 : vector<16xi32>
          %and3A_277 = arith.andi %ge3A_272, %lt3A_276 : vector<16xi1>
          %sub3A_278 = vector.broadcast %mul3A_83 : i32 to vector<16xi32>
          %sub3A_279 = arith.subi %get3A_266, %sub3A_278 : vector<16xi32>
          %jit3A_280 = arith.constant 0 : i32
          %broadcast_in_dim3A_281 = vector.broadcast %jit3A_280 : i32 to vector<16xi32>
          %select_n3A_282 = arith.select %and3A_277, %sub3A_279, %broadcast_in_dim3A_281 : vector<16xi1>, vector<16xi32>
          tpu.vector_store_idx %arg5[%select_n3A_282], %get3A_270 masked %and3A_277 {add = true} : memref<102400xf32, #tpu.memory_space<vmem>>[vector<16xi32>], vector<16xf32>, vector<16xi1>
          %mul3A_283 = arith.constant 128 : i32
          %mul3A_284 = arith.muli %scan3A_212, %mul3A_283 : i32
          %add3A_285 = arith.constant 48 : i32
          %add3A_286 = arith.addi %mul3A_284, %add3A_285 : i32
          %get3A_287 = arith.constant 0 : i32
          %get3A_288 = arith.index_cast %get3A_287 : i32 to index
          %get3A_289 = arith.index_cast %add3A_286 : i32 to index
          %get3A_290 = tpu.vector_load %arg6[%get3A_288, %get3A_289] {strides = array<i32>} : memref<2x2048xi32, #tpu.memory_space<vmem>>, vector<16xi32>,
          %get3A_291 = arith.constant 0 : i32
          %get3A_292 = arith.index_cast %get3A_291 : i32 to index
          %get3A_293 = arith.index_cast %add3A_286 : i32 to index
          %get3A_294 = tpu.vector_load %arg7[%get3A_292, %get3A_293] {strides = array<i32>} : memref<2x2048xf32, #tpu.memory_space<vmem>>, vector<16xf32>,
          %ge3A_295 = vector.broadcast %mul3A_83 : i32 to vector<16xi32>
          %ge3A_296 = arith.cmpi sge, %get3A_290, %ge3A_295 : vector<16xi32>
          %add3A_297 = arith.constant 102400 : i32
          %add3A_298 = arith.addi %mul3A_83, %add3A_297 : i32
          %lt3A_299 = vector.broadcast %add3A_298 : i32 to vector<16xi32>
          %lt3A_300 = arith.cmpi slt, %get3A_290, %lt3A_299 : vector<16xi32>
          %and3A_301 = arith.andi %ge3A_296, %lt3A_300 : vector<16xi1>
          %sub3A_302 = vector.broadcast %mul3A_83 : i32 to vector<16xi32>
          %sub3A_303 = arith.subi %get3A_290, %sub3A_302 : vector<16xi32>
          %jit3A_304 = arith.constant 0 : i32
          %broadcast_in_dim3A_305 = vector.broadcast %jit3A_304 : i32 to vector<16xi32>
          %select_n3A_306 = arith.select %and3A_301, %sub3A_303, %broadcast_in_dim3A_305 : vector<16xi1>, vector<16xi32>
          tpu.vector_store_idx %arg5[%select_n3A_306], %get3A_294 masked %and3A_301 {add = true} : memref<102400xf32, #tpu.memory_space<vmem>>[vector<16xi32>], vector<16xf32>, vector<16xi1>
          %mul3A_307 = arith.constant 128 : i32
          %mul3A_308 = arith.muli %scan3A_212, %mul3A_307 : i32
          %add3A_309 = arith.constant 64 : i32
          %add3A_310 = arith.addi %mul3A_308, %add3A_309 : i32
          %get3A_311 = arith.constant 0 : i32
          %get3A_312 = arith.index_cast %get3A_311 : i32 to index
          %get3A_313 = arith.index_cast %add3A_310 : i32 to index
          %get3A_314 = tpu.vector_load %arg6[%get3A_312, %get3A_313] {strides = array<i32>} : memref<2x2048xi32, #tpu.memory_space<vmem>>, vector<16xi32>,
          %get3A_315 = arith.constant 0 : i32
          %get3A_316 = arith.index_cast %get3A_315 : i32 to index
          %get3A_317 = arith.index_cast %add3A_310 : i32 to index
          %get3A_318 = tpu.vector_load %arg7[%get3A_316, %get3A_317] {strides = array<i32>} : memref<2x2048xf32, #tpu.memory_space<vmem>>, vector<16xf32>,
          %ge3A_319 = vector.broadcast %mul3A_83 : i32 to vector<16xi32>
          %ge3A_320 = arith.cmpi sge, %get3A_314, %ge3A_319 : vector<16xi32>
          %add3A_321 = arith.constant 102400 : i32
          %add3A_322 = arith.addi %mul3A_83, %add3A_321 : i32
          %lt3A_323 = vector.broadcast %add3A_322 : i32 to vector<16xi32>
          %lt3A_324 = arith.cmpi slt, %get3A_314, %lt3A_323 : vector<16xi32>
          %and3A_325 = arith.andi %ge3A_320, %lt3A_324 : vector<16xi1>
          %sub3A_326 = vector.broadcast %mul3A_83 : i32 to vector<16xi32>
          %sub3A_327 = arith.subi %get3A_314, %sub3A_326 : vector<16xi32>
          %jit3A_328 = arith.constant 0 : i32
          %broadcast_in_dim3A_329 = vector.broadcast %jit3A_328 : i32 to vector<16xi32>
          %select_n3A_330 = arith.select %and3A_325, %sub3A_327, %broadcast_in_dim3A_329 : vector<16xi1>, vector<16xi32>
          tpu.vector_store_idx %arg5[%select_n3A_330], %get3A_318 masked %and3A_325 {add = true} : memref<102400xf32, #tpu.memory_space<vmem>>[vector<16xi32>], vector<16xf32>, vector<16xi1>
          %mul3A_331 = arith.constant 128 : i32
          %mul3A_332 = arith.muli %scan3A_212, %mul3A_331 : i32
          %add3A_333 = arith.constant 80 : i32
          %add3A_334 = arith.addi %mul3A_332, %add3A_333 : i32
          %get3A_335 = arith.constant 0 : i32
          %get3A_336 = arith.index_cast %get3A_335 : i32 to index
          %get3A_337 = arith.index_cast %add3A_334 : i32 to index
          %get3A_338 = tpu.vector_load %arg6[%get3A_336, %get3A_337] {strides = array<i32>} : memref<2x2048xi32, #tpu.memory_space<vmem>>, vector<16xi32>,
          %get3A_339 = arith.constant 0 : i32
          %get3A_340 = arith.index_cast %get3A_339 : i32 to index
          %get3A_341 = arith.index_cast %add3A_334 : i32 to index
          %get3A_342 = tpu.vector_load %arg7[%get3A_340, %get3A_341] {strides = array<i32>} : memref<2x2048xf32, #tpu.memory_space<vmem>>, vector<16xf32>,
          %ge3A_343 = vector.broadcast %mul3A_83 : i32 to vector<16xi32>
          %ge3A_344 = arith.cmpi sge, %get3A_338, %ge3A_343 : vector<16xi32>
          %add3A_345 = arith.constant 102400 : i32
          %add3A_346 = arith.addi %mul3A_83, %add3A_345 : i32
          %lt3A_347 = vector.broadcast %add3A_346 : i32 to vector<16xi32>
          %lt3A_348 = arith.cmpi slt, %get3A_338, %lt3A_347 : vector<16xi32>
          %and3A_349 = arith.andi %ge3A_344, %lt3A_348 : vector<16xi1>
          %sub3A_350 = vector.broadcast %mul3A_83 : i32 to vector<16xi32>
          %sub3A_351 = arith.subi %get3A_338, %sub3A_350 : vector<16xi32>
          %jit3A_352 = arith.constant 0 : i32
          %broadcast_in_dim3A_353 = vector.broadcast %jit3A_352 : i32 to vector<16xi32>
          %select_n3A_354 = arith.select %and3A_349, %sub3A_351, %broadcast_in_dim3A_353 : vector<16xi1>, vector<16xi32>
          tpu.vector_store_idx %arg5[%select_n3A_354], %get3A_342 masked %and3A_349 {add = true} : memref<102400xf32, #tpu.memory_space<vmem>>[vector<16xi32>], vector<16xf32>, vector<16xi1>
          %mul3A_355 = arith.constant 128 : i32
          %mul3A_356 = arith.muli %scan3A_212, %mul3A_355 : i32
          %add3A_357 = arith.constant 96 : i32
          %add3A_358 = arith.addi %mul3A_356, %add3A_357 : i32
          %get3A_359 = arith.constant 0 : i32
          %get3A_360 = arith.index_cast %get3A_359 : i32 to index
          %get3A_361 = arith.index_cast %add3A_358 : i32 to index
          %get3A_362 = tpu.vector_load %arg6[%get3A_360, %get3A_361] {strides = array<i32>} : memref<2x2048xi32, #tpu.memory_space<vmem>>, vector<16xi32>,
          %get3A_363 = arith.constant 0 : i32
          %get3A_364 = arith.index_cast %get3A_363 : i32 to index
          %get3A_365 = arith.index_cast %add3A_358 : i32 to index
          %get3A_366 = tpu.vector_load %arg7[%get3A_364, %get3A_365] {strides = array<i32>} : memref<2x2048xf32, #tpu.memory_space<vmem>>, vector<16xf32>,
          %ge3A_367 = vector.broadcast %mul3A_83 : i32 to vector<16xi32>
          %ge3A_368 = arith.cmpi sge, %get3A_362, %ge3A_367 : vector<16xi32>
          %add3A_369 = arith.constant 102400 : i32
          %add3A_370 = arith.addi %mul3A_83, %add3A_369 : i32
          %lt3A_371 = vector.broadcast %add3A_370 : i32 to vector<16xi32>
          %lt3A_372 = arith.cmpi slt, %get3A_362, %lt3A_371 : vector<16xi32>
          %and3A_373 = arith.andi %ge3A_368, %lt3A_372 : vector<16xi1>
          %sub3A_374 = vector.broadcast %mul3A_83 : i32 to vector<16xi32>
          %sub3A_375 = arith.subi %get3A_362, %sub3A_374 : vector<16xi32>
          %jit3A_376 = arith.constant 0 : i32
          %broadcast_in_dim3A_377 = vector.broadcast %jit3A_376 : i32 to vector<16xi32>
          %select_n3A_378 = arith.select %and3A_373, %sub3A_375, %broadcast_in_dim3A_377 : vector<16xi1>, vector<16xi32>
          tpu.vector_store_idx %arg5[%select_n3A_378], %get3A_366 masked %and3A_373 {add = true} : memref<102400xf32, #tpu.memory_space<vmem>>[vector<16xi32>], vector<16xf32>, vector<16xi1>
          %mul3A_379 = arith.constant 128 : i32
          %mul3A_380 = arith.muli %scan3A_212, %mul3A_379 : i32
          %add3A_381 = arith.constant 112 : i32
          %add3A_382 = arith.addi %mul3A_380, %add3A_381 : i32
          %get3A_383 = arith.constant 0 : i32
          %get3A_384 = arith.index_cast %get3A_383 : i32 to index
          %get3A_385 = arith.index_cast %add3A_382 : i32 to index
          %get3A_386 = tpu.vector_load %arg6[%get3A_384, %get3A_385] {strides = array<i32>} : memref<2x2048xi32, #tpu.memory_space<vmem>>, vector<16xi32>,
          %get3A_387 = arith.constant 0 : i32
          %get3A_388 = arith.index_cast %get3A_387 : i32 to index
          %get3A_389 = arith.index_cast %add3A_382 : i32 to index
          %get3A_390 = tpu.vector_load %arg7[%get3A_388, %get3A_389] {strides = array<i32>} : memref<2x2048xf32, #tpu.memory_space<vmem>>, vector<16xf32>,
          %ge3A_391 = vector.broadcast %mul3A_83 : i32 to vector<16xi32>
          %ge3A_392 = arith.cmpi sge, %get3A_386, %ge3A_391 : vector<16xi32>
          %add3A_393 = arith.constant 102400 : i32
          %add3A_394 = arith.addi %mul3A_83, %add3A_393 : i32
          %lt3A_395 = vector.broadcast %add3A_394 : i32 to vector<16xi32>
          %lt3A_396 = arith.cmpi slt, %get3A_386, %lt3A_395 : vector<16xi32>
          %and3A_397 = arith.andi %ge3A_392, %lt3A_396 : vector<16xi1>
          %sub3A_398 = vector.broadcast %mul3A_83 : i32 to vector<16xi32>
          %sub3A_399 = arith.subi %get3A_386, %sub3A_398 : vector<16xi32>
          %jit3A_400 = arith.constant 0 : i32
          %broadcast_in_dim3A_401 = vector.broadcast %jit3A_400 : i32 to vector<16xi32>
          %select_n3A_402 = arith.select %and3A_397, %sub3A_399, %broadcast_in_dim3A_401 : vector<16xi1>, vector<16xi32>
          tpu.vector_store_idx %arg5[%select_n3A_402], %get3A_390 masked %and3A_397 {add = true} : memref<102400xf32, #tpu.memory_space<vmem>>[vector<16xi32>], vector<16xf32>, vector<16xi1>
          %scan3A_403 = arith.constant 0 : i32
          scf.yield %scan3A_403 : i32
        }
        %scan3A_166 = arith.constant 16 : i32
        %mul3A_167 = arith.constant 2 : i32
        %mul3A_168 = arith.muli %mul3A_167, %scan3A_124 : i32
        %add3A_169 = arith.constant 1 : i32
        %add3A_170 = arith.addi %mul3A_168, %add3A_169 : i32
        %add3A_171 = arith.constant 1 : i32
        %add3A_172 = arith.addi %add3A_170, %add3A_171 : i32
        %lt3A_173 = arith.constant 50 : i32
        %lt3A_174 = arith.cmpi slt, %add3A_172, %lt3A_173 : i32
        %convert_element_type3A_175 = arith.extui %lt3A_174 : i1 to i32
        %cond3A_176 = arith.constant 0 : i32
        %cond3A_177 = arith.cmpi ne, %convert_element_type3A_175, %cond3A_176 : i32
        scf.if %cond3A_177 {
          %add3A_212 = arith.constant 1 : i32
          %add3A_213 = arith.addi %add3A_170, %add3A_212 : i32
          %mul3A_214 = arith.constant 2048 : i32
          %mul3A_215 = arith.muli %add3A_213, %mul3A_214 : i32
          %dma_start3A_216 = arith.constant 0 : i32
          %dma_start3A_217 = arith.constant 0 : i32
          %dma_start3A_218 = tpu.memref_slice %arg6[%dma_start3A_216, %dma_start3A_217] : memref<2x2048xi32, #tpu.memory_space<vmem>> -> memref<1x2048xi32, #tpu.memory_space<vmem>>
          %dma_start3A_219 = tpu.memref_squeeze %dma_start3A_218 : memref<1x2048xi32, #tpu.memory_space<vmem>> -> memref<2048xi32, #tpu.memory_space<vmem>>
          %dma_start3A_220 = tpu.memref_slice %arg3[%select_n3A, %mul3A_215] : memref<4x102400xi32, #tpu.memory_space<hbm>> -> memref<1x2048xi32, #tpu.memory_space<hbm>>
          %dma_start3A_221 = tpu.memref_squeeze %dma_start3A_220 : memref<1x2048xi32, #tpu.memory_space<hbm>> -> memref<2048xi32, #tpu.memory_space<hbm>>
          %dma_start3A_222 = arith.constant 0 : i32
          %dma_start3A_223 = tpu.memref_slice %arg6[%dma_start3A_216, %dma_start3A_222] : memref<2x2048xi32, #tpu.memory_space<vmem>> -> memref<1x2048xi32, #tpu.memory_space<vmem>>
          %dma_start3A_224 = tpu.memref_squeeze %dma_start3A_223 : memref<1x2048xi32, #tpu.memory_space<vmem>> -> memref<2048xi32, #tpu.memory_space<vmem>>
          %dma_start3A_225 = tpu.memref_slice %arg3[%select_n3A, %mul3A_215] : memref<4x102400xi32, #tpu.memory_space<hbm>> -> memref<1x2048xi32, #tpu.memory_space<hbm>>
          %dma_start3A_226 = tpu.memref_squeeze %dma_start3A_225 : memref<1x2048xi32, #tpu.memory_space<hbm>> -> memref<2048xi32, #tpu.memory_space<hbm>>
          tpu.enqueue_dma source(%dma_start3A_226 : memref<2048xi32, #tpu.memory_space<hbm>>) target(%dma_start3A_224 : memref<2048xi32, #tpu.memory_space<vmem>>) target_semaphore(%arg8 : memref<!tpu.dma_semaphore, #tpu.memory_space<semaphore_mem>>)
          %mul3A_227 = arith.constant 2048 : i32
          %mul3A_228 = arith.muli %add3A_213, %mul3A_227 : i32
          %dma_start3A_229 = arith.constant 0 : i32
          %dma_start3A_230 = arith.constant 0 : i32
          %dma_start3A_231 = tpu.memref_slice %arg7[%dma_start3A_229, %dma_start3A_230] : memref<2x2048xf32, #tpu.memory_space<vmem>> -> memref<1x2048xf32, #tpu.memory_space<vmem>>
          %dma_start3A_232 = tpu.memref_squeeze %dma_start3A_231 : memref<1x2048xf32, #tpu.memory_space<vmem>> -> memref<2048xf32, #tpu.memory_space<vmem>>
          %dma_start3A_233 = tpu.memref_slice %arg2[%select_n3A, %select_n3A_65, %mul3A_228] : memref<4x64x102400xf32, #tpu.memory_space<hbm>> -> memref<1x1x2048xf32, #tpu.memory_space<hbm>>
          %dma_start3A_234 = tpu.memref_squeeze %dma_start3A_233 : memref<1x1x2048xf32, #tpu.memory_space<hbm>> -> memref<2048xf32, #tpu.memory_space<hbm>>
          %dma_start3A_235 = arith.constant 0 : i32
          %dma_start3A_236 = tpu.memref_slice %arg7[%dma_start3A_229, %dma_start3A_235] : memref<2x2048xf32, #tpu.memory_space<vmem>> -> memref<1x2048xf32, #tpu.memory_space<vmem>>
          %dma_start3A_237 = tpu.memref_squeeze %dma_start3A_236 : memref<1x2048xf32, #tpu.memory_space<vmem>> -> memref<2048xf32, #tpu.memory_space<vmem>>
          %dma_start3A_238 = tpu.memref_slice %arg2[%select_n3A, %select_n3A_65, %mul3A_228] : memref<4x64x102400xf32, #tpu.memory_space<hbm>> -> memref<1x1x2048xf32, #tpu.memory_space<hbm>>
          %dma_start3A_239 = tpu.memref_squeeze %dma_start3A_238 : memref<1x1x2048xf32, #tpu.memory_space<hbm>> -> memref<2048xf32, #tpu.memory_space<hbm>>
          tpu.enqueue_dma source(%dma_start3A_239 : memref<2048xf32, #tpu.memory_space<hbm>>) target(%dma_start3A_237 : memref<2048xf32, #tpu.memory_space<vmem>>) target_semaphore(%arg10 : memref<!tpu.dma_semaphore, #tpu.memory_space<semaphore_mem>>)
        } else {
        }
        %mul3A_178 = arith.constant 2048 : i32
        %mul3A_179 = arith.muli %add3A_170, %mul3A_178 : i32
        %dma_wait3A_180 = arith.constant 1 : i32
        %dma_wait3A_181 = arith.constant 0 : i32
        %dma_wait3A_182 = tpu.memref_slice %arg6[%dma_wait3A_180, %dma_wait3A_181] : memref<2x2048xi32, #tpu.memory_space<vmem>> -> memref<1x2048xi32, #tpu.memory_space<vmem>>
        %dma_wait3A_183 = tpu.memref_squeeze %dma_wait3A_182 : memref<1x2048xi32, #tpu.memory_space<vmem>> -> memref<2048xi32, #tpu.memory_space<vmem>>
        %dma_wait3A_184 = tpu.memref_slice %arg3[%select_n3A, %mul3A_179] : memref<4x102400xi32, #tpu.memory_space<hbm>> -> memref<1x2048xi32, #tpu.memory_space<hbm>>
        %dma_wait3A_185 = tpu.memref_squeeze %dma_wait3A_184 : memref<1x2048xi32, #tpu.memory_space<hbm>> -> memref<2048xi32, #tpu.memory_space<hbm>>
        %dma_wait3A_186 = arith.constant 0 : i32
        %dma_wait3A_187 = tpu.memref_slice %arg6[%dma_wait3A_180, %dma_wait3A_186] : memref<2x2048xi32, #tpu.memory_space<vmem>> -> memref<1x2048xi32, #tpu.memory_space<vmem>>
        %dma_wait3A_188 = tpu.memref_squeeze %dma_wait3A_187 : memref<1x2048xi32, #tpu.memory_space<vmem>> -> memref<2048xi32, #tpu.memory_space<vmem>>
        %dma_wait3A_189 = tpu.memref_slice %arg3[%select_n3A, %mul3A_179] : memref<4x102400xi32, #tpu.memory_space<hbm>> -> memref<1x2048xi32, #tpu.memory_space<hbm>>
        %dma_wait3A_190 = tpu.memref_squeeze %dma_wait3A_189 : memref<1x2048xi32, #tpu.memory_space<hbm>> -> memref<2048xi32, #tpu.memory_space<hbm>>
        tpu.wait_dma2 semaphore(%arg9 : memref<!tpu.dma_semaphore, #tpu.memory_space<semaphore_mem>>) src(%dma_wait3A_190 : memref<2048xi32, #tpu.memory_space<hbm>>) dst(%dma_wait3A_188 : memref<2048xi32, #tpu.memory_space<vmem>>)
        %mul3A_191 = arith.constant 2048 : i32
        %mul3A_192 = arith.muli %add3A_170, %mul3A_191 : i32
        %dma_wait3A_193 = arith.constant 1 : i32
        %dma_wait3A_194 = arith.constant 0 : i32
        %dma_wait3A_195 = tpu.memref_slice %arg7[%dma_wait3A_193, %dma_wait3A_194] : memref<2x2048xf32, #tpu.memory_space<vmem>> -> memref<1x2048xf32, #tpu.memory_space<vmem>>
        %dma_wait3A_196 = tpu.memref_squeeze %dma_wait3A_195 : memref<1x2048xf32, #tpu.memory_space<vmem>> -> memref<2048xf32, #tpu.memory_space<vmem>>
        %dma_wait3A_197 = tpu.memref_slice %arg2[%select_n3A, %select_n3A_65, %mul3A_192] : memref<4x64x102400xf32, #tpu.memory_space<hbm>> -> memref<1x1x2048xf32, #tpu.memory_space<hbm>>
        %dma_wait3A_198 = tpu.memref_squeeze %dma_wait3A_197 : memref<1x1x2048xf32, #tpu.memory_space<hbm>> -> memref<2048xf32, #tpu.memory_space<hbm>>
        %dma_wait3A_199 = arith.constant 0 : i32
        %dma_wait3A_200 = tpu.memref_slice %arg7[%dma_wait3A_193, %dma_wait3A_199] : memref<2x2048xf32, #tpu.memory_space<vmem>> -> memref<1x2048xf32, #tpu.memory_space<vmem>>
        %dma_wait3A_201 = tpu.memref_squeeze %dma_wait3A_200 : memref<1x2048xf32, #tpu.memory_space<vmem>> -> memref<2048xf32, #tpu.memory_space<vmem>>
        %dma_wait3A_202 = tpu.memref_slice %arg2[%select_n3A, %select_n3A_65, %mul3A_192] : memref<4x64x102400xf32, #tpu.memory_space<hbm>> -> memref<1x1x2048xf32, #tpu.memory_space<hbm>>
        %dma_wait3A_203 = tpu.memref_squeeze %dma_wait3A_202 : memref<1x1x2048xf32, #tpu.memory_space<hbm>> -> memref<2048xf32, #tpu.memory_space<hbm>>
        tpu.wait_dma2 semaphore(%arg11 : memref<!tpu.dma_semaphore, #tpu.memory_space<semaphore_mem>>) src(%dma_wait3A_203 : memref<2048xf32, #tpu.memory_space<hbm>>) dst(%dma_wait3A_201 : memref<2048xf32, #tpu.memory_space<vmem>>)
        %scan3A_204 = arith.constant 0 : i32
        %scan3A_205 = arith.constant 0 : i32
        %scan3A_206 = arith.constant 16 : i32
        %scan3A_207 = arith.addi %scan3A_205, %scan3A_206 : i32
        %scan3A_208 = arith.constant 1 : i32
        %scan3A_209 = scf.for %scan3A_212 = %scan3A_205 to %scan3A_207 step %scan3A_208 iter_args(%scan3A_213 = %scan3A_204) -> (i32)  : i32 {
          %mul3A_214 = arith.constant 128 : i32
          %mul3A_215 = arith.muli %scan3A_212, %mul3A_214 : i32
          %add3A_216 = arith.constant 0 : i32
          %add3A_217 = arith.addi %mul3A_215, %add3A_216 : i32
          %get3A = arith.constant 1 : i32
          %get3A_218 = arith.index_cast %get3A : i32 to index
          %get3A_219 = arith.index_cast %add3A_217 : i32 to index
          %get3A_220 = tpu.vector_load %arg6[%get3A_218, %get3A_219] {strides = array<i32>} : memref<2x2048xi32, #tpu.memory_space<vmem>>, vector<16xi32>,
          %get3A_221 = arith.constant 1 : i32
          %get3A_222 = arith.index_cast %get3A_221 : i32 to index
          %get3A_223 = arith.index_cast %add3A_217 : i32 to index
          %get3A_224 = tpu.vector_load %arg7[%get3A_222, %get3A_223] {strides = array<i32>} : memref<2x2048xf32, #tpu.memory_space<vmem>>, vector<16xf32>,
          %ge3A = vector.broadcast %mul3A_83 : i32 to vector<16xi32>
          %ge3A_225 = arith.cmpi sge, %get3A_220, %ge3A : vector<16xi32>
          %add3A_226 = arith.constant 102400 : i32
          %add3A_227 = arith.addi %mul3A_83, %add3A_226 : i32
          %lt3A_228 = vector.broadcast %add3A_227 : i32 to vector<16xi32>
          %lt3A_229 = arith.cmpi slt, %get3A_220, %lt3A_228 : vector<16xi32>
          %and3A_230 = arith.andi %ge3A_225, %lt3A_229 : vector<16xi1>
          %sub3A_231 = vector.broadcast %mul3A_83 : i32 to vector<16xi32>
          %sub3A_232 = arith.subi %get3A_220, %sub3A_231 : vector<16xi32>
          %jit3A_233 = arith.constant 0 : i32
          %broadcast_in_dim3A = vector.broadcast %jit3A_233 : i32 to vector<16xi32>
          %select_n3A_234 = arith.select %and3A_230, %sub3A_232, %broadcast_in_dim3A : vector<16xi1>, vector<16xi32>
          tpu.vector_store_idx %arg5[%select_n3A_234], %get3A_224 masked %and3A_230 {add = true} : memref<102400xf32, #tpu.memory_space<vmem>>[vector<16xi32>], vector<16xf32>, vector<16xi1>
          %mul3A_235 = arith.constant 128 : i32
          %mul3A_236 = arith.muli %scan3A_212, %mul3A_235 : i32
          %add3A_237 = arith.constant 16 : i32
          %add3A_238 = arith.addi %mul3A_236, %add3A_237 : i32
          %get3A_239 = arith.constant 1 : i32
          %get3A_240 = arith.index_cast %get3A_239 : i32 to index
          %get3A_241 = arith.index_cast %add3A_238 : i32 to index
          %get3A_242 = tpu.vector_load %arg6[%get3A_240, %get3A_241] {strides = array<i32>} : memref<2x2048xi32, #tpu.memory_space<vmem>>, vector<16xi32>,
          %get3A_243 = arith.constant 1 : i32
          %get3A_244 = arith.index_cast %get3A_243 : i32 to index
          %get3A_245 = arith.index_cast %add3A_238 : i32 to index
          %get3A_246 = tpu.vector_load %arg7[%get3A_244, %get3A_245] {strides = array<i32>} : memref<2x2048xf32, #tpu.memory_space<vmem>>, vector<16xf32>,
          %ge3A_247 = vector.broadcast %mul3A_83 : i32 to vector<16xi32>
          %ge3A_248 = arith.cmpi sge, %get3A_242, %ge3A_247 : vector<16xi32>
          %add3A_249 = arith.constant 102400 : i32
          %add3A_250 = arith.addi %mul3A_83, %add3A_249 : i32
          %lt3A_251 = vector.broadcast %add3A_250 : i32 to vector<16xi32>
          %lt3A_252 = arith.cmpi slt, %get3A_242, %lt3A_251 : vector<16xi32>
          %and3A_253 = arith.andi %ge3A_248, %lt3A_252 : vector<16xi1>
          %sub3A_254 = vector.broadcast %mul3A_83 : i32 to vector<16xi32>
          %sub3A_255 = arith.subi %get3A_242, %sub3A_254 : vector<16xi32>
          %jit3A_256 = arith.constant 0 : i32
          %broadcast_in_dim3A_257 = vector.broadcast %jit3A_256 : i32 to vector<16xi32>
          %select_n3A_258 = arith.select %and3A_253, %sub3A_255, %broadcast_in_dim3A_257 : vector<16xi1>, vector<16xi32>
          tpu.vector_store_idx %arg5[%select_n3A_258], %get3A_246 masked %and3A_253 {add = true} : memref<102400xf32, #tpu.memory_space<vmem>>[vector<16xi32>], vector<16xf32>, vector<16xi1>
          %mul3A_259 = arith.constant 128 : i32
          %mul3A_260 = arith.muli %scan3A_212, %mul3A_259 : i32
          %add3A_261 = arith.constant 32 : i32
          %add3A_262 = arith.addi %mul3A_260, %add3A_261 : i32
          %get3A_263 = arith.constant 1 : i32
          %get3A_264 = arith.index_cast %get3A_263 : i32 to index
          %get3A_265 = arith.index_cast %add3A_262 : i32 to index
          %get3A_266 = tpu.vector_load %arg6[%get3A_264, %get3A_265] {strides = array<i32>} : memref<2x2048xi32, #tpu.memory_space<vmem>>, vector<16xi32>,
          %get3A_267 = arith.constant 1 : i32
          %get3A_268 = arith.index_cast %get3A_267 : i32 to index
          %get3A_269 = arith.index_cast %add3A_262 : i32 to index
          %get3A_270 = tpu.vector_load %arg7[%get3A_268, %get3A_269] {strides = array<i32>} : memref<2x2048xf32, #tpu.memory_space<vmem>>, vector<16xf32>,
          %ge3A_271 = vector.broadcast %mul3A_83 : i32 to vector<16xi32>
          %ge3A_272 = arith.cmpi sge, %get3A_266, %ge3A_271 : vector<16xi32>
          %add3A_273 = arith.constant 102400 : i32
          %add3A_274 = arith.addi %mul3A_83, %add3A_273 : i32
          %lt3A_275 = vector.broadcast %add3A_274 : i32 to vector<16xi32>
          %lt3A_276 = arith.cmpi slt, %get3A_266, %lt3A_275 : vector<16xi32>
          %and3A_277 = arith.andi %ge3A_272, %lt3A_276 : vector<16xi1>
          %sub3A_278 = vector.broadcast %mul3A_83 : i32 to vector<16xi32>
          %sub3A_279 = arith.subi %get3A_266, %sub3A_278 : vector<16xi32>
          %jit3A_280 = arith.constant 0 : i32
          %broadcast_in_dim3A_281 = vector.broadcast %jit3A_280 : i32 to vector<16xi32>
          %select_n3A_282 = arith.select %and3A_277, %sub3A_279, %broadcast_in_dim3A_281 : vector<16xi1>, vector<16xi32>
          tpu.vector_store_idx %arg5[%select_n3A_282], %get3A_270 masked %and3A_277 {add = true} : memref<102400xf32, #tpu.memory_space<vmem>>[vector<16xi32>], vector<16xf32>, vector<16xi1>
          %mul3A_283 = arith.constant 128 : i32
          %mul3A_284 = arith.muli %scan3A_212, %mul3A_283 : i32
          %add3A_285 = arith.constant 48 : i32
          %add3A_286 = arith.addi %mul3A_284, %add3A_285 : i32
          %get3A_287 = arith.constant 1 : i32
          %get3A_288 = arith.index_cast %get3A_287 : i32 to index
          %get3A_289 = arith.index_cast %add3A_286 : i32 to index
          %get3A_290 = tpu.vector_load %arg6[%get3A_288, %get3A_289] {strides = array<i32>} : memref<2x2048xi32, #tpu.memory_space<vmem>>, vector<16xi32>,
          %get3A_291 = arith.constant 1 : i32
          %get3A_292 = arith.index_cast %get3A_291 : i32 to index
          %get3A_293 = arith.index_cast %add3A_286 : i32 to index
          %get3A_294 = tpu.vector_load %arg7[%get3A_292, %get3A_293] {strides = array<i32>} : memref<2x2048xf32, #tpu.memory_space<vmem>>, vector<16xf32>,
          %ge3A_295 = vector.broadcast %mul3A_83 : i32 to vector<16xi32>
          %ge3A_296 = arith.cmpi sge, %get3A_290, %ge3A_295 : vector<16xi32>
          %add3A_297 = arith.constant 102400 : i32
          %add3A_298 = arith.addi %mul3A_83, %add3A_297 : i32
          %lt3A_299 = vector.broadcast %add3A_298 : i32 to vector<16xi32>
          %lt3A_300 = arith.cmpi slt, %get3A_290, %lt3A_299 : vector<16xi32>
          %and3A_301 = arith.andi %ge3A_296, %lt3A_300 : vector<16xi1>
          %sub3A_302 = vector.broadcast %mul3A_83 : i32 to vector<16xi32>
          %sub3A_303 = arith.subi %get3A_290, %sub3A_302 : vector<16xi32>
          %jit3A_304 = arith.constant 0 : i32
          %broadcast_in_dim3A_305 = vector.broadcast %jit3A_304 : i32 to vector<16xi32>
          %select_n3A_306 = arith.select %and3A_301, %sub3A_303, %broadcast_in_dim3A_305 : vector<16xi1>, vector<16xi32>
          tpu.vector_store_idx %arg5[%select_n3A_306], %get3A_294 masked %and3A_301 {add = true} : memref<102400xf32, #tpu.memory_space<vmem>>[vector<16xi32>], vector<16xf32>, vector<16xi1>
          %mul3A_307 = arith.constant 128 : i32
          %mul3A_308 = arith.muli %scan3A_212, %mul3A_307 : i32
          %add3A_309 = arith.constant 64 : i32
          %add3A_310 = arith.addi %mul3A_308, %add3A_309 : i32
          %get3A_311 = arith.constant 1 : i32
          %get3A_312 = arith.index_cast %get3A_311 : i32 to index
          %get3A_313 = arith.index_cast %add3A_310 : i32 to index
          %get3A_314 = tpu.vector_load %arg6[%get3A_312, %get3A_313] {strides = array<i32>} : memref<2x2048xi32, #tpu.memory_space<vmem>>, vector<16xi32>,
          %get3A_315 = arith.constant 1 : i32
          %get3A_316 = arith.index_cast %get3A_315 : i32 to index
          %get3A_317 = arith.index_cast %add3A_310 : i32 to index
          %get3A_318 = tpu.vector_load %arg7[%get3A_316, %get3A_317] {strides = array<i32>} : memref<2x2048xf32, #tpu.memory_space<vmem>>, vector<16xf32>,
          %ge3A_319 = vector.broadcast %mul3A_83 : i32 to vector<16xi32>
          %ge3A_320 = arith.cmpi sge, %get3A_314, %ge3A_319 : vector<16xi32>
          %add3A_321 = arith.constant 102400 : i32
          %add3A_322 = arith.addi %mul3A_83, %add3A_321 : i32
          %lt3A_323 = vector.broadcast %add3A_322 : i32 to vector<16xi32>
          %lt3A_324 = arith.cmpi slt, %get3A_314, %lt3A_323 : vector<16xi32>
          %and3A_325 = arith.andi %ge3A_320, %lt3A_324 : vector<16xi1>
          %sub3A_326 = vector.broadcast %mul3A_83 : i32 to vector<16xi32>
          %sub3A_327 = arith.subi %get3A_314, %sub3A_326 : vector<16xi32>
          %jit3A_328 = arith.constant 0 : i32
          %broadcast_in_dim3A_329 = vector.broadcast %jit3A_328 : i32 to vector<16xi32>
          %select_n3A_330 = arith.select %and3A_325, %sub3A_327, %broadcast_in_dim3A_329 : vector<16xi1>, vector<16xi32>
          tpu.vector_store_idx %arg5[%select_n3A_330], %get3A_318 masked %and3A_325 {add = true} : memref<102400xf32, #tpu.memory_space<vmem>>[vector<16xi32>], vector<16xf32>, vector<16xi1>
          %mul3A_331 = arith.constant 128 : i32
          %mul3A_332 = arith.muli %scan3A_212, %mul3A_331 : i32
          %add3A_333 = arith.constant 80 : i32
          %add3A_334 = arith.addi %mul3A_332, %add3A_333 : i32
          %get3A_335 = arith.constant 1 : i32
          %get3A_336 = arith.index_cast %get3A_335 : i32 to index
          %get3A_337 = arith.index_cast %add3A_334 : i32 to index
          %get3A_338 = tpu.vector_load %arg6[%get3A_336, %get3A_337] {strides = array<i32>} : memref<2x2048xi32, #tpu.memory_space<vmem>>, vector<16xi32>,
          %get3A_339 = arith.constant 1 : i32
          %get3A_340 = arith.index_cast %get3A_339 : i32 to index
          %get3A_341 = arith.index_cast %add3A_334 : i32 to index
          %get3A_342 = tpu.vector_load %arg7[%get3A_340, %get3A_341] {strides = array<i32>} : memref<2x2048xf32, #tpu.memory_space<vmem>>, vector<16xf32>,
          %ge3A_343 = vector.broadcast %mul3A_83 : i32 to vector<16xi32>
          %ge3A_344 = arith.cmpi sge, %get3A_338, %ge3A_343 : vector<16xi32>
          %add3A_345 = arith.constant 102400 : i32
          %add3A_346 = arith.addi %mul3A_83, %add3A_345 : i32
          %lt3A_347 = vector.broadcast %add3A_346 : i32 to vector<16xi32>
          %lt3A_348 = arith.cmpi slt, %get3A_338, %lt3A_347 : vector<16xi32>
          %and3A_349 = arith.andi %ge3A_344, %lt3A_348 : vector<16xi1>
          %sub3A_350 = vector.broadcast %mul3A_83 : i32 to vector<16xi32>
          %sub3A_351 = arith.subi %get3A_338, %sub3A_350 : vector<16xi32>
          %jit3A_352 = arith.constant 0 : i32
          %broadcast_in_dim3A_353 = vector.broadcast %jit3A_352 : i32 to vector<16xi32>
          %select_n3A_354 = arith.select %and3A_349, %sub3A_351, %broadcast_in_dim3A_353 : vector<16xi1>, vector<16xi32>
          tpu.vector_store_idx %arg5[%select_n3A_354], %get3A_342 masked %and3A_349 {add = true} : memref<102400xf32, #tpu.memory_space<vmem>>[vector<16xi32>], vector<16xf32>, vector<16xi1>
          %mul3A_355 = arith.constant 128 : i32
          %mul3A_356 = arith.muli %scan3A_212, %mul3A_355 : i32
          %add3A_357 = arith.constant 96 : i32
          %add3A_358 = arith.addi %mul3A_356, %add3A_357 : i32
          %get3A_359 = arith.constant 1 : i32
          %get3A_360 = arith.index_cast %get3A_359 : i32 to index
          %get3A_361 = arith.index_cast %add3A_358 : i32 to index
          %get3A_362 = tpu.vector_load %arg6[%get3A_360, %get3A_361] {strides = array<i32>} : memref<2x2048xi32, #tpu.memory_space<vmem>>, vector<16xi32>,
          %get3A_363 = arith.constant 1 : i32
          %get3A_364 = arith.index_cast %get3A_363 : i32 to index
          %get3A_365 = arith.index_cast %add3A_358 : i32 to index
          %get3A_366 = tpu.vector_load %arg7[%get3A_364, %get3A_365] {strides = array<i32>} : memref<2x2048xf32, #tpu.memory_space<vmem>>, vector<16xf32>,
          %ge3A_367 = vector.broadcast %mul3A_83 : i32 to vector<16xi32>
          %ge3A_368 = arith.cmpi sge, %get3A_362, %ge3A_367 : vector<16xi32>
          %add3A_369 = arith.constant 102400 : i32
          %add3A_370 = arith.addi %mul3A_83, %add3A_369 : i32
          %lt3A_371 = vector.broadcast %add3A_370 : i32 to vector<16xi32>
          %lt3A_372 = arith.cmpi slt, %get3A_362, %lt3A_371 : vector<16xi32>
          %and3A_373 = arith.andi %ge3A_368, %lt3A_372 : vector<16xi1>
          %sub3A_374 = vector.broadcast %mul3A_83 : i32 to vector<16xi32>
          %sub3A_375 = arith.subi %get3A_362, %sub3A_374 : vector<16xi32>
          %jit3A_376 = arith.constant 0 : i32
          %broadcast_in_dim3A_377 = vector.broadcast %jit3A_376 : i32 to vector<16xi32>
          %select_n3A_378 = arith.select %and3A_373, %sub3A_375, %broadcast_in_dim3A_377 : vector<16xi1>, vector<16xi32>
          tpu.vector_store_idx %arg5[%select_n3A_378], %get3A_366 masked %and3A_373 {add = true} : memref<102400xf32, #tpu.memory_space<vmem>>[vector<16xi32>], vector<16xf32>, vector<16xi1>
          %mul3A_379 = arith.constant 128 : i32
          %mul3A_380 = arith.muli %scan3A_212, %mul3A_379 : i32
          %add3A_381 = arith.constant 112 : i32
          %add3A_382 = arith.addi %mul3A_380, %add3A_381 : i32
          %get3A_383 = arith.constant 1 : i32
          %get3A_384 = arith.index_cast %get3A_383 : i32 to index
          %get3A_385 = arith.index_cast %add3A_382 : i32 to index
          %get3A_386 = tpu.vector_load %arg6[%get3A_384, %get3A_385] {strides = array<i32>} : memref<2x2048xi32, #tpu.memory_space<vmem>>, vector<16xi32>,
          %get3A_387 = arith.constant 1 : i32
          %get3A_388 = arith.index_cast %get3A_387 : i32 to index
          %get3A_389 = arith.index_cast %add3A_382 : i32 to index
          %get3A_390 = tpu.vector_load %arg7[%get3A_388, %get3A_389] {strides = array<i32>} : memref<2x2048xf32, #tpu.memory_space<vmem>>, vector<16xf32>,
          %ge3A_391 = vector.broadcast %mul3A_83 : i32 to vector<16xi32>
          %ge3A_392 = arith.cmpi sge, %get3A_386, %ge3A_391 : vector<16xi32>
          %add3A_393 = arith.constant 102400 : i32
          %add3A_394 = arith.addi %mul3A_83, %add3A_393 : i32
          %lt3A_395 = vector.broadcast %add3A_394 : i32 to vector<16xi32>
          %lt3A_396 = arith.cmpi slt, %get3A_386, %lt3A_395 : vector<16xi32>
          %and3A_397 = arith.andi %ge3A_392, %lt3A_396 : vector<16xi1>
          %sub3A_398 = vector.broadcast %mul3A_83 : i32 to vector<16xi32>
          %sub3A_399 = arith.subi %get3A_386, %sub3A_398 : vector<16xi32>
          %jit3A_400 = arith.constant 0 : i32
          %broadcast_in_dim3A_401 = vector.broadcast %jit3A_400 : i32 to vector<16xi32>
          %select_n3A_402 = arith.select %and3A_397, %sub3A_399, %broadcast_in_dim3A_401 : vector<16xi1>, vector<16xi32>
          tpu.vector_store_idx %arg5[%select_n3A_402], %get3A_390 masked %and3A_397 {add = true} : memref<102400xf32, #tpu.memory_space<vmem>>[vector<16xi32>], vector<16xf32>, vector<16xi1>
          %scan3A_403 = arith.constant 0 : i32
          scf.yield %scan3A_403 : i32
        }
        %scan3A_210 = arith.constant 16 : i32
        %scan3A_211 = arith.constant 0 : i32
        scf.yield %scan3A_211 : i32
      }
      %scan3A_122 = arith.constant 25 : i32
      "tpu.region"() ({
        %run_scoped3A = tpu.sem_alloc : memref<!tpu.dma_semaphore, #tpu.memory_space<semaphore_mem>>
        %dma_start3A_124 = tpu.memref_slice %arg4[%select_n3A, %select_n3A_65, %mul3A_83] : memref<4x64x409600xf32, #tpu.memory_space<hbm>> -> memref<1x1x102400xf32, #tpu.memory_space<hbm>>
        %dma_start3A_125 = tpu.memref_squeeze %dma_start3A_124 : memref<1x1x102400xf32, #tpu.memory_space<hbm>> -> memref<102400xf32, #tpu.memory_space<hbm>>
        %dma_start3A_126 = tpu.memref_slice %arg4[%select_n3A, %select_n3A_65, %mul3A_83] : memref<4x64x409600xf32, #tpu.memory_space<hbm>> -> memref<1x1x102400xf32, #tpu.memory_space<hbm>>
        %dma_start3A_127 = tpu.memref_squeeze %dma_start3A_126 : memref<1x1x102400xf32, #tpu.memory_space<hbm>> -> memref<102400xf32, #tpu.memory_space<hbm>>
        tpu.enqueue_dma source(%arg5 : memref<102400xf32, #tpu.memory_space<vmem>>) target(%dma_start3A_127 : memref<102400xf32, #tpu.memory_space<hbm>>) target_semaphore(%run_scoped3A : memref<!tpu.dma_semaphore, #tpu.memory_space<semaphore_mem>>)
        %dma_wait3A = tpu.memref_slice %arg4[%select_n3A, %select_n3A_65, %mul3A_83] : memref<4x64x409600xf32, #tpu.memory_space<hbm>> -> memref<1x1x102400xf32, #tpu.memory_space<hbm>>
        %dma_wait3A_128 = tpu.memref_squeeze %dma_wait3A : memref<1x1x102400xf32, #tpu.memory_space<hbm>> -> memref<102400xf32, #tpu.memory_space<hbm>>
        %dma_wait3A_129 = tpu.memref_slice %arg4[%select_n3A, %select_n3A_65, %mul3A_83] : memref<4x64x409600xf32, #tpu.memory_space<hbm>> -> memref<1x1x102400xf32, #tpu.memory_space<hbm>>
        %dma_wait3A_130 = tpu.memref_squeeze %dma_wait3A_129 : memref<1x1x102400xf32, #tpu.memory_space<hbm>> -> memref<102400xf32, #tpu.memory_space<hbm>>
        tpu.wait_dma2 semaphore(%run_scoped3A : memref<!tpu.dma_semaphore, #tpu.memory_space<semaphore_mem>>) src(%arg5 : memref<102400xf32, #tpu.memory_space<vmem>>) dst(%dma_wait3A_130 : memref<102400xf32, #tpu.memory_space<hbm>>)
        tpu.yield
      }) : () -> ()
      %scan3A_123 = arith.constant 0 : i32
      scf.yield %scan3A_123 : i32
    }
    %scan3A_6 = arith.constant 32 : i32
    return
  }
}

module attributes {stable_mosaic.version = 14 : i64} {
  func.func @_stats_body(%arg0: i32, %arg1: i32, %arg2: memref<1x8x2048xf32, #tpu.memory_space<vmem>>, %arg3: memref<24x128xf32, #tpu.memory_space<vmem>>) attributes {dimension_semantics = [#tpu.dimension_semantics<arbitrary>, #tpu.dimension_semantics<arbitrary>], iteration_bounds = array<i64: 4, 50>, scalar_prefetch = 0 : i64, scratch_operands = 0 : i64, tpu.core_type = #tpu.core_type<tc>, window_params = [{transform_indices = @transform_0, window_bounds = array<i64: 1, 8, 2048>}, {pipeline_mode = #tpu.pipeline_mode<synchronous>, transform_indices = @transform_1, window_bounds = array<i64: 24, 128>}]} {
    %get3A = arith.constant 0 : index
    %get3A_0 = arith.constant 0 : index
    %get3A_1 = arith.constant 0 : index
    %get3A_2 = vector.load %arg2[%get3A, %get3A_0, %get3A_1] : memref<1x8x2048xf32, #tpu.memory_space<vmem>>, vector<1x8x2048xf32>
    %get3A_3 = vector.shape_cast %get3A_2 : vector<1x8x2048xf32> to vector<8x2048xf32>
    %slice3A = vector.extract_strided_slice %get3A_3 {offsets = [3, 0], sizes = [1, 2048], strides = [1, 1]} : vector<8x2048xf32> to vector<1x2048xf32>
    %slice3A_4 = vector.extract_strided_slice %get3A_3 {offsets = [0, 0], sizes = [3, 2048], strides = [1, 1]} : vector<8x2048xf32> to vector<3x2048xf32>
    %mul3A = vector.broadcast %slice3A : vector<1x2048xf32> to vector<3x2048xf32>
    %mul3A_5 = arith.mulf %slice3A_4, %mul3A : vector<3x2048xf32>
    %slice3A_6 = vector.extract_strided_slice %slice3A_4 {offsets = [0, 0], sizes = [1, 2048], strides = [1, 1]} : vector<3x2048xf32> to vector<1x2048xf32>
    %mul3A_7 = vector.broadcast %slice3A_6 : vector<1x2048xf32> to vector<3x2048xf32>
    %mul3A_8 = arith.mulf %mul3A_7, %slice3A_4 : vector<3x2048xf32>
    %mul3A_9 = vector.broadcast %slice3A : vector<1x2048xf32> to vector<3x2048xf32>
    %mul3A_10 = arith.mulf %mul3A_8, %mul3A_9 : vector<3x2048xf32>
    %slice3A_11 = vector.extract_strided_slice %slice3A_4 {offsets = [1, 0], sizes = [1, 2048], strides = [1, 1]} : vector<3x2048xf32> to vector<1x2048xf32>
    %slice3A_12 = vector.extract_strided_slice %slice3A_4 {offsets = [1, 0], sizes = [2, 2048], strides = [1, 1]} : vector<3x2048xf32> to vector<2x2048xf32>
    %mul3A_13 = vector.broadcast %slice3A_11 : vector<1x2048xf32> to vector<2x2048xf32>
    %mul3A_14 = arith.mulf %mul3A_13, %slice3A_12 : vector<2x2048xf32>
    %mul3A_15 = vector.broadcast %slice3A : vector<1x2048xf32> to vector<2x2048xf32>
    %mul3A_16 = arith.mulf %mul3A_14, %mul3A_15 : vector<2x2048xf32>
    %slice3A_17 = vector.extract_strided_slice %slice3A_4 {offsets = [2, 0], sizes = [1, 2048], strides = [1, 1]} : vector<3x2048xf32> to vector<1x2048xf32>
    %slice3A_18 = vector.extract_strided_slice %slice3A_4 {offsets = [2, 0], sizes = [1, 2048], strides = [1, 1]} : vector<3x2048xf32> to vector<1x2048xf32>
    %mul3A_19 = arith.mulf %slice3A_17, %slice3A_18 : vector<1x2048xf32>
    %mul3A_20 = arith.mulf %mul3A_19, %slice3A : vector<1x2048xf32>
    %concatenate3A = tpu.concatenate %mul3A_5, %mul3A_10, %mul3A_16, %mul3A_20, %slice3A in 0 : vector<3x2048xf32>, vector<3x2048xf32>, vector<2x2048xf32>, vector<1x2048xf32>, vector<1x2048xf32> -> vector<10x2048xf32>
    %jit3A = arith.constant 2 : i32
    %eq3A = arith.constant 0 : i32
    %eq3A_21 = arith.cmpi eq, %jit3A, %eq3A : i32
    %jit3A_22 = arith.constant 1 : i32
    %select_n3A = arith.select %eq3A_21, %jit3A_22, %jit3A : i32
    %rem3A = arith.remsi %arg0, %select_n3A : i32
    %ne3A = arith.constant 0 : i32
    %ne3A_23 = arith.cmpi ne, %rem3A, %ne3A : i32
    %lt3A = arith.constant 0 : i32
    %lt3A_24 = arith.cmpi slt, %rem3A, %lt3A : i32
    %lt3A_25 = arith.constant 0 : i32
    %lt3A_26 = arith.cmpi slt, %select_n3A, %lt3A_25 : i32
    %ne3A_27 = arith.xori %lt3A_24, %lt3A_26 : i1
    %and3A = arith.andi %ne3A_27, %ne3A_23 : i1
    %add3A = arith.addi %rem3A, %select_n3A : i32
    %select_n3A_28 = arith.select %and3A, %add3A, %rem3A : i32
    %convert_element_type3A = arith.sitofp %select_n3A_28 : i32 to f32
    %broadcast_in_dim3A = arith.constant 0.000000e+00 : f32
    %broadcast_in_dim3A_29 = vector.broadcast %broadcast_in_dim3A : f32 to vector<2x2048xf32>
    %sub3A = arith.constant 1.000000e+00 : f32
    %sub3A_30 = arith.subf %sub3A, %convert_element_type3A : f32
    %mul3A_31 = vector.broadcast %sub3A_30 : f32 to vector<10x2048xf32>
    %mul3A_32 = arith.mulf %concatenate3A, %mul3A_31 : vector<10x2048xf32>
    %mul3A_33 = vector.broadcast %convert_element_type3A : f32 to vector<10x2048xf32>
    %mul3A_34 = arith.mulf %concatenate3A, %mul3A_33 : vector<10x2048xf32>
    %concatenate3A_35 = tpu.concatenate %mul3A_32, %broadcast_in_dim3A_29, %mul3A_34, %broadcast_in_dim3A_29 in 0 : vector<10x2048xf32>, vector<2x2048xf32>, vector<10x2048xf32>, vector<2x2048xf32> -> vector<24x2048xf32>
    %reshape3A = vector.shape_cast %concatenate3A_35 : vector<24x2048xf32> to vector<24x16x128xf32>
    %reduce_sum3A = arith.constant dense<0.000000e+00> : vector<24x128xf32>
    %reduce_sum3A_36 = vector.multi_reduction <add>, %reshape3A, %reduce_sum3A [1] : vector<24x16x128xf32> to vector<24x128xf32>
    %eq3A_37 = arith.constant 0 : i32
    %eq3A_38 = arith.cmpi eq, %arg0, %eq3A_37 : i32
    %eq3A_39 = arith.constant 0 : i32
    %eq3A_40 = arith.cmpi eq, %arg1, %eq3A_39 : i32
    %and3A_41 = arith.andi %eq3A_38, %eq3A_40 : i1
    %convert_element_type3A_42 = arith.extui %and3A_41 : i1 to i32
    %cond3A = arith.constant 0 : i32
    %cond3A_43 = arith.cmpi ne, %convert_element_type3A_42, %cond3A : i32
    scf.if %cond3A_43 {
      %swap3A = arith.constant 0 : index
      %swap3A_53 = arith.constant 0 : index
      %swap3A_54 = vector.load %arg3[%swap3A, %swap3A_53] : memref<24x128xf32, #tpu.memory_space<vmem>>, vector<24x128xf32>
      tpu.vector_store %arg3[%swap3A, %swap3A_53], %reduce_sum3A_36 {strides = array<i32>} : memref<24x128xf32, #tpu.memory_space<vmem>>, vector<24x128xf32>,
    } else {
    }
    %eq3A_44 = arith.constant 0 : i32
    %eq3A_45 = arith.cmpi eq, %arg0, %eq3A_44 : i32
    %eq3A_46 = arith.constant 0 : i32
    %eq3A_47 = arith.cmpi eq, %arg1, %eq3A_46 : i32
    %and3A_48 = arith.andi %eq3A_45, %eq3A_47 : i1
    %not3A = arith.constant true
    %not3A_49 = arith.xori %and3A_48, %not3A : i1
    %convert_element_type3A_50 = arith.extui %not3A_49 : i1 to i32
    %cond3A_51 = arith.constant 0 : i32
    %cond3A_52 = arith.cmpi ne, %convert_element_type3A_50, %cond3A_51 : i32
    scf.if %cond3A_52 {
      %get3A_53 = arith.constant 0 : index
      %get3A_54 = arith.constant 0 : index
      %get3A_55 = vector.load %arg3[%get3A_53, %get3A_54] : memref<24x128xf32, #tpu.memory_space<vmem>>, vector<24x128xf32>
      %add3A_56 = arith.addf %get3A_55, %reduce_sum3A_36 : vector<24x128xf32>
      %swap3A = arith.constant 0 : index
      %swap3A_57 = arith.constant 0 : index
      %swap3A_58 = vector.load %arg3[%swap3A, %swap3A_57] : memref<24x128xf32, #tpu.memory_space<vmem>>, vector<24x128xf32>
      tpu.vector_store %arg3[%swap3A, %swap3A_57], %add3A_56 {strides = array<i32>} : memref<24x128xf32, #tpu.memory_space<vmem>>, vector<24x128xf32>,
    } else {
    }
    return
  }
  func.func @transform_0(%arg0: i32, %arg1: i32) -> (i32, i32, i32) {
    %c0_i32 = arith.constant 0 : i32
    %c0_i32_0 = arith.constant 0 : i32
    return %arg0, %c0_i32, %arg1 : i32, i32, i32
  }
  func.func @transform_1(%arg0: i32, %arg1: i32) -> (i32, i32) {
    %c0_i32 = arith.constant 0 : i32
    %c0_i32_0 = arith.constant 0 : i32
    %c0_i32_1 = arith.constant 0 : i32
    return %c0_i32, %c0_i32_0 : i32, i32
  }
}

module attributes {stable_mosaic.version = 14 : i64} {
  func.func @_emb_body(%arg0: i32, %arg1: i32, %arg2: memref<1x8x2048xf32, #tpu.memory_space<vmem>>, %arg3: memref<1x64x8xf32, #tpu.memory_space<vmem>>, %arg4: memref<1x64x128xf32, #tpu.memory_space<vmem>>, %arg5: memref<1x64x2048xf32, #tpu.memory_space<vmem>>) attributes {dimension_semantics = [#tpu.dimension_semantics<arbitrary>, #tpu.dimension_semantics<arbitrary>], iteration_bounds = array<i64: 4, 50>, scalar_prefetch = 0 : i64, scratch_operands = 0 : i64, tpu.core_type = #tpu.core_type<tc>, window_params = [{transform_indices = @transform_0, window_bounds = array<i64: 1, 8, 2048>}, {transform_indices = @transform_1, window_bounds = array<i64: 1, 64, 8>}, {transform_indices = @transform_2, window_bounds = array<i64: 1, 64, 128>}, {transform_indices = @transform_3, window_bounds = array<i64: 1, 64, 2048>}]} {
    %get3A = arith.constant 0 : index
    %get3A_0 = arith.constant 0 : index
    %get3A_1 = arith.constant 0 : index
    %get3A_2 = vector.load %arg2[%get3A, %get3A_0, %get3A_1] : memref<1x8x2048xf32, #tpu.memory_space<vmem>>, vector<1x8x2048xf32>
    %get3A_3 = vector.shape_cast %get3A_2 : vector<1x8x2048xf32> to vector<8x2048xf32>
    %get3A_4 = arith.constant 0 : index
    %get3A_5 = arith.constant 0 : index
    %get3A_6 = arith.constant 0 : index
    %get3A_7 = vector.load %arg3[%get3A_4, %get3A_5, %get3A_6] : memref<1x64x8xf32, #tpu.memory_space<vmem>>, vector<1x64x8xf32>
    %get3A_8 = vector.shape_cast %get3A_7 : vector<1x64x8xf32> to vector<64x8xf32>
    %get3A_9 = arith.constant 0 : index
    %get3A_10 = arith.constant 0 : index
    %get3A_11 = arith.constant 0 : index
    %get3A_12 = vector.load %arg4[%get3A_9, %get3A_10, %get3A_11] : memref<1x64x128xf32, #tpu.memory_space<vmem>>, vector<1x64x128xf32>
    %get3A_13 = vector.shape_cast %get3A_12 : vector<1x64x128xf32> to vector<64x128xf32>
    %slice3A = vector.extract_strided_slice %get3A_13 {offsets = [0, 0], sizes = [64, 1], strides = [1, 1]} : vector<64x128xf32> to vector<64x1xf32>
    %slice3A_14 = vector.extract_strided_slice %get3A_3 {offsets = [3, 0], sizes = [1, 2048], strides = [1, 1]} : vector<8x2048xf32> to vector<1x2048xf32>
    %dot_general3A = arith.constant dense<0.000000e+00> : vector<64x2048xf32>
    %dot_general3A_15 = tpu.matmul %get3A_8, %get3A_3, %dot_general3A {dimension_numbers = #tpu.dot_dimension_numbers<[1], [0], [0], [1], [0, 0, 1, 1], [], []>, transpose_lhs_hint = false} : vector<64x8xf32>, vector<8x2048xf32>, vector<64x2048xf32> -> vector<64x2048xf32>
    %add3A = vector.broadcast %slice3A : vector<64x1xf32> to vector<64x2048xf32>
    %add3A_16 = arith.addf %dot_general3A_15, %add3A : vector<64x2048xf32>
    %max3A = arith.constant 0.000000e+00 : f32
    %max3A_17 = vector.broadcast %max3A : f32 to vector<64x2048xf32>
    %max3A_18 = arith.maximumf %add3A_16, %max3A_17 : vector<64x2048xf32>
    %mul3A = vector.broadcast %slice3A_14 : vector<1x2048xf32> to vector<64x2048xf32>
    %mul3A_19 = arith.mulf %max3A_18, %mul3A : vector<64x2048xf32>
    %swap3A = arith.constant 0 : index
    %swap3A_20 = arith.constant 0 : index
    %swap3A_21 = arith.constant 0 : index
    %swap3A_22 = vector.load %arg5[%swap3A, %swap3A_20, %swap3A_21] : memref<1x64x2048xf32, #tpu.memory_space<vmem>>, vector<1x64x2048xf32>
    %swap3A_23 = vector.shape_cast %swap3A_22 : vector<1x64x2048xf32> to vector<64x2048xf32>
    %swap3A_24 = vector.shape_cast %mul3A_19 : vector<64x2048xf32> to vector<1x64x2048xf32>
    tpu.vector_store %arg5[%swap3A, %swap3A_20, %swap3A_21], %swap3A_24 {strides = array<i32>} : memref<1x64x2048xf32, #tpu.memory_space<vmem>>, vector<1x64x2048xf32>,
    return
  }
  func.func @transform_0(%arg0: i32, %arg1: i32) -> (i32, i32, i32) {
    %c0_i32 = arith.constant 0 : i32
    %c0_i32_0 = arith.constant 0 : i32
    return %arg0, %c0_i32, %arg1 : i32, i32, i32
  }
  func.func @transform_1(%arg0: i32, %arg1: i32) -> (i32, i32, i32) {
    %c0_i32 = arith.constant 0 : i32
    %c0_i32_0 = arith.constant 0 : i32
    %c0_i32_1 = arith.constant 0 : i32
    return %arg0, %c0_i32, %c0_i32_0 : i32, i32, i32
  }
  func.func @transform_2(%arg0: i32, %arg1: i32) -> (i32, i32, i32) {
    %c0_i32 = arith.constant 0 : i32
    %c0_i32_0 = arith.constant 0 : i32
    %c0_i32_1 = arith.constant 0 : i32
    return %arg0, %c0_i32, %c0_i32_0 : i32, i32, i32
  }
  func.func @transform_3(%arg0: i32, %arg1: i32) -> (i32, i32, i32) {
    %c0_i32 = arith.constant 0 : i32
    %c0_i32_0 = arith.constant 0 : i32
    return %arg0, %c0_i32, %arg1 : i32, i32, i32
  }
}

</mosaic_0001>

<sc_bundles>
// kernel: kernel.5.cloned.1.call-start
scs
__scs_entry_jumppad:
0x0: {  	(pc) =	sbr.rel $0x88, $3  }
0x1: {  	(tag) =	ssettag $0x0;
	lr =	simm.s32 $0x1  }
0x2: {  	[smem:$0x3F97] =	sst lr;
	_ =	strace $0xD0000000  }
0x3: {  	_ = 	snop  }
0x4: {  	_ = 	snop  }
0x5: {  	_ = 	snop  }
0x6: {  	_ = 	snop  }
0x7: {  	_ = 	snop  }
__scs_overlays_trampoline_lowered:
0x8: {  	[smem:$0x3FA6] =	sst s0  }
0x9: {  	[smem:$0x3FA7] =	sst s1  }
0xa: {  	[smem:$0x3FA8] =	sst s2  }
0xb: {  	[smem:$0x3FA9] =	sst s3  }
0xc: {  	[smem:$0x3FAA] =	sst s4  }
0xd: {  	[smem:$0x3FAB] =	sst s5  }
0xe: {  	[smem:$0x3FAC] =	sst s6  }
0xf: {  	[smem:$0x3FAD] =	sst s7  }
0x10: {  	[smem:$0x3FAE] =	sst s8  }
0x11: {  	[smem:$0x3FAF] =	sst s9;
	s0 =	simm.s32 @!p0 $0x0  }
0x12: {  	s1 =	sld [smem:$0x3F95];
	s0 =	simm.s32 @p0 $0x1  }
0x13: {  	[smem:$0x3FB0] =	sst s0;
	s0 =	simm.s32 @!p1 $0x0  }
0x14: {  	s2 =	sld [smem:$0x3F94];
	s0 =	simm.s32 @p1 $0x1  }
0x15: {  	[smem:$0x3FB1] =	sst s0;
	s0 =	simm.s32 @!p2 $0x0  }
0x16: {  	s3 =	sld [smem:$0x3FDB];
	s0 =	simm.s32 @p2 $0x1  }
0x17: {  	s4 =	simm.s32 $0x1BF5;
	[smem:$0x3FB3] =	sst s0  }
0x18: {  	s0 =	sld [smem:$0x3F96];
	_ =	swait.ge [sflag:s4], $0x0  }
0x19: {  	s7 =	sld [smem:$0x3F97]  }
0x1a: {  	s8 =	sadd.s32 $0xFFFFE003, lr  }
0x1b: {  	s9 =	sadd.s32 $0xFFFFFEF7, lr;
	s5 =	simm.s32 $0xFFFFFFFF;
	p2 =	slt.u32 s8, $0xFFFFF086  }
0x1c: {  	p1 =	slt.u32 s9, $0xF7A;
	s5 =	simm.s32 @!p2 $0x0  }
0x1d: {  	s5 =	simm.s32 @p1 $0x1;
	p0 =	seq.s32 s7, s2  }
0x1e: {  	s7 =	smul.u32 @!p0 $0xF7A, s2;
	p2 =	seq.s32 @!p0 s5, $0x0  }
0x1f: {  	s9 =	smul.u32 $0xF7A, s1;
	s8 =	simm.s32 @!p0 $0x1BF5;
	p2 =	por !p2, p0  }
0x20: {  	[sflag:s8] =	ssyncset.s32 @!p0 $0xFFFFF086;
	s6 =	sadd.s32 @!p0 s3, s7;
	s7 =	simm.s32 @!p0 $0x108  }
0x21: {  	s3 =	sadd.s32 s3, s9;
	s6 =	sadd.s32 @!p0 $0x88, s6;
	s7 =	simm.s32 @p2 $0x1082  }
0x22: {  	[simem:s7], [sflag:s8] =	dma.local @!p0 [hbm:s6], $0xF7A  }
0x23: {  	s9 =	sor.u32 $0xD0000000, s2;
	s6 =	simm.s32 $0x108;
	_ =	swait.ge @!p0 [sflag:s8], $0x0  }
0x24: {  	s3 =	sadd.s32 $0x88, s3;
	s6 =	simm.s32 @!p1 $0x1082;
	[sflag:s4] =	ssyncset.s32 $0xFFFFF086  }
0x25: {  	[simem:s6], [sflag:s4] =	dma.local [hbm:s3], $0xF7A  }
0x26: {  	[smem:$0x3F97] =	sst s1;
	(tag) =	ssettag s2;
	_ =	strace s9  }
0x27: {  	s1 =	sld [smem:$0x3FA7]  }
0x28: {  	s2 =	sld [smem:$0x3FA8]  }
0x29: {  	s4 =	sld [smem:$0x3FAA]  }
0x2a: {  	p0 =	seq.s32 s5, $0x0;
	s5 =	sld [smem:$0x3FAB]  }
0x2b: {  	s6 =	sld [smem:$0x3FAC]  }
0x2c: {  	s7 =	sld [smem:$0x3FAD]  }
0x2d: {  	s3 =	simm.s32 $0x108;
	s8 =	sld [smem:$0x3FAE]  }
0x2e: {  	s3 =	simm.s32 @!p0 $0x1082;
	s9 =	sld [smem:$0x3FAF]  }
0x2f: {  	lr =	sadd.s32 s0, s3;
	s0 =	sld [smem:$0x3FA6]  }
0x30: {  	s3 =	sld [smem:$0x3FA9]  }
0x31: {  	[smem:$0x3FB2] =	sst s10  }
0x32: {  	s10 =	sld [smem:$0x3FB0];
	_ =	sdelay $0x3  }
0x33: {  	p0 =	seq.s32 s10, $0x1;
	s10 =	sld [smem:$0x3FB2];
	_ =	sdelay $0x3  }
0x34: {  	[smem:$0x3FB2] =	sst s10  }
0x35: {  	s10 =	sld [smem:$0x3FB1];
	_ =	sdelay $0x3  }
0x36: {  	p1 =	seq.s32 s10, $0x1;
	s10 =	sld [smem:$0x3FB2];
	_ =	sdelay $0x3  }
0x37: {  	[smem:$0x3FB2] =	sst s10  }
0x38: {  	s10 =	sld [smem:$0x3FB3]  }
0x39: {  	_ = 	snop;
	(pc) =	sbr.ind lr, $3  }
0x3a: {  	_ = 	snop  }
0x3b: {  	_ = 	snop  }
0x3c: {  	p2 =	seq.s32 s10, $0x1;
	s10 =	sld [smem:$0x3FB2]  }
0x3d: {  	_ =	shalt  }
0x3e: {  	_ =	shalt  }
0x3f: {  	_ =	shalt  }
0x40: {  	_ =	shalt  }
0x41: {  	_ =	shalt  }
0x42: {  	_ =	shalt  }
0x43: {  	_ =	shalt  }
0x44: {  	_ =	shalt  }
0x45: {  	_ =	shalt  }
0x46: {  	_ =	shalt  }
0x47: {  	_ =	shalt  }
0x48: {  	_ =	shalt  }
0x49: {  	_ =	shalt  }
0x4a: {  	_ =	shalt  }
0x4b: {  	_ =	shalt  }
0x4c: {  	_ =	shalt  }
0x4d: {  	_ =	shalt  }
0x4e: {  	_ =	shalt  }
0x4f: {  	_ =	shalt  }
0x50: {  	_ =	shalt  }
0x51: {  	_ =	shalt  }
0x52: {  	_ =	shalt  }
0x53: {  	_ =	shalt  }
0x54: {  	_ =	shalt  }
0x55: {  	_ =	shalt  }
0x56: {  	_ =	shalt  }
0x57: {  	_ =	shalt  }
0x58: {  	_ =	shalt  }
0x59: {  	_ =	shalt  }
0x5a: {  	_ =	shalt  }
0x5b: {  	_ =	shalt  }
0x5c: {  	_ =	shalt  }
0x5d: {  	_ =	shalt  }
0x5e: {  	_ =	shalt  }
0x5f: {  	_ =	shalt  }
0x60: {  	_ =	shalt  }
0x61: {  	_ =	shalt  }
0x62: {  	_ =	shalt  }
0x63: {  	_ =	shalt  }
0x64: {  	_ =	shalt  }
0x65: {  	_ =	shalt  }
0x66: {  	_ =	shalt  }
0x67: {  	_ =	shalt  }
0x68: {  	_ =	shalt  }
0x69: {  	_ =	shalt  }
0x6a: {  	_ =	shalt  }
0x6b: {  	_ =	shalt  }
0x6c: {  	_ =	shalt  }
0x6d: {  	_ =	shalt  }
0x6e: {  	_ =	shalt  }
0x6f: {  	_ =	shalt  }
0x70: {  	_ =	shalt  }
0x71: {  	_ =	shalt  }
0x72: {  	_ =	shalt  }
0x73: {  	_ =	shalt  }
0x74: {  	_ =	shalt  }
0x75: {  	_ =	shalt  }
0x76: {  	_ =	shalt  }
0x77: {  	_ =	shalt  }
0x78: {  	_ =	shalt  }
0x79: {  	_ =	shalt  }
0x7a: {  	_ =	shalt  }
0x7b: {  	_ =	shalt  }
0x7c: {  	_ =	shalt  }
0x7d: {  	_ =	shalt  }
0x7e: {  	_ =	shalt  }
0x7f: {  	_ =	shalt  }
0x80: {  	_ =	shalt  }
0x81: {  	_ =	shalt  }
0x82: {  	_ =	shalt  }
0x83: {  	_ =	shalt  }
0x84: {  	_ =	shalt  }
0x85: {  	_ =	shalt  }
0x86: {  	_ =	shalt  }
0x87: {  	_ =	shalt  }
.Lfunc_end0:
.L_simem_size_0:
called_computation.1_lowered:
.L_overlay_start_0:
0x88: {  	s2 =	sld [smem:$0x3FD9]  }
0x89: {  	s3 =	sld [smem:$0x3FFE];
	_ =	sdelay $0x1  }
0x8a: {  	s1 =	srdreg.scid  }
0x8b: {  	s0 =	sand.u32 $0x1, s1  }
0x8c: {  	s17 =	sshll.u32 s0, $0xA;
	s2 =	sadd.s32 s3, s2  }
0x8d: {  	s2 =	sadd.s32 s2, s17  }
0x8e: {  	[smem:$0x3FBE] =	sst s2  }
0x8f: {  	_ = 	snop  }
0x90: {  	s2 =	sld [smem:$0x3FD0];
	(tm) =	ssettm $0x1  }
0x91: {  	s18 =	sld [smem:$0x3FFB];
	_ =	sdelay $0x3  }
0x92: {  	_ =	strace s18  }
0x93: {  	s3 =	sld [smem:$0x3FFC];
	_ =	sdelay $0x3  }
0x94: {  	_ =	strace s3  }
0x95: {  	s3 =	sld [smem:$0x3FFD];
	_ =	sdelay $0x3  }
0x96: {  	_ =	strace s3  }
0x97: {  	_ =	strace $0x8FFFFFFF  }
0x98: {  	s19 =	sld [smem:$0x3FDB];
	_ =	sdelay $0x1  }
0x99: {  	s4 =	simm.s32 $_scs_section_size  }
0x9a: {  	s5 =	simm.s32 $_size__tile_overlayer_lowered;
	s6 =	simm.s32 $_tile_overlayer_lowered  }
0x9b: {  	s22 =	simm.s32 $0x1BFF;
	s21 =	sshll.u32 s6, $0x1;
	s3 =	sadd.s32 s4, s19  }
0x9c: {  	s7 =	simm.s32 $0x0;
	s20 =	sshll.u32 s5, $0x1;
	s5 =	sadd.s32 s21, s3  }
0x9d: {  	[timem:s7], [sflag:s22] =	dma.local [hbm:s5], s20  }
0x9e: {  	_ =	swait.ge [sflag:s22], s20  }
0x9f: {  	s4 =	ssub.s32 $0x0, s20;
	[sflag:s22] =	ssyncset.done $0x0  }
0xa0: {  	[sflag:s22] =	ssyncadd.s32 s4;
	_ =	sdelay $0x1  }
0xa1: {  	s23 =	simm.s32 $0x1B8B  }
0xa2: {  	_ =	swait.ge [sflag:s23], $0x1  }
0xa3: {  	[sflag:s23] =	ssyncset.done $0x0  }
0xa4: {  	s25 =	simm.s32 $0x1B8E;
	s24 =	sld [smem:$0x3FFE];
	[sflag:s23] =	ssyncadd.s32 $0xFFFFFFFF  }
0xa5: {  	s26 =	simm.s32 $execute0_lowered;
	[smem:$0x3FD2] =	sst s25  }
0xa6: {  	s5 =	sshll.u32 s26, $0x1;
	_ =	strace $0x80000046;
	[dreg:$0x1] =	wrdreg $0xFFFFFFFF  }
0xa7: {  	s28 =	simm.s32 $_size_execute0_lowered;
	s3 =	sadd.s32 s3, s5;
	[dreg:$0x0] =	wrdreg $0x0  }
0xa8: {  	s5 =	sshll.u32 s28, $0x1;
	[dreg:$0x2] =	wrdreg s3  }
0xa9: {  	[dreg:$0x3] =	wrdreg s5  }
0xaa: {  	[dreg:$0x4] =	wrdreg $0xC0  }
0xab: {  	_ =	task [dreg:s7], $0x5FFFF  }
0xac: {  	[dreg:$0x1] =	wrdreg $0xFFFFFFFF  }
0xad: {  	[dreg:$0x0] =	wrdreg $0x60  }
0xae: {  	[dreg:$0x2] =	wrdreg s2  }
0xaf: {  	[dreg:$0x3] =	wrdreg s24  }
0xb0: {  	[dreg:$0x4] =	wrdreg $0x9  }
0xb1: {  	_ =	task.clear_ibuf [dreg:s7], $0x5FFFF;
	_ =	strace $0x90000046  }
0xb2: {  	s29 =	simm.s32 $0x9;
	_ =	strace $0x80000048  }
0xb3: {  	_ =	swait.ge [sflag:s29], $0x1  }
0xb4: {  	[sflag:s29] =	ssyncadd.s32 $0xFFFFFFFF  }
0xb5: {  	_ =	strace $0x90000048  }
0xb6: {  	_ =	sfence  }
0xb7: {  	s30 =	sld [smem:$0x0];
	_ =	sdelay $0x2  }
0xb8: {  	s31 =	sshll.u32 s1, $0xD;
	s1 =	sshrl.u32 s1, $0x2  }
0xb9: {  	s3 =	sand.u32 $0x4000, s31;
	s1 =	sadd.s32 s1, s30  }
0xba: {  	s0 =	sor.u32 s3, s0;
	s1 =	sshll.u32 s1, $0x11  }
0xbb: {  	s0 =	sor.u32 s1, s0  }
0xbc: {  	s0 =	sadd.s32 $0x8F2B, s0  }
0xbd: {  	[sflag:s0] =	ssyncadd.remote.s32 $0x1  }
0xbe: {  	_ =	sfence.sel $0xFFFF  }
0xbf: {  	[dreg:$0x0] =	wrdreg $0xFFFFFFFF;
	(pc) =	sbr.abs _section_cstart, $3  }
0xc0: {  	[dreg:$0x1] =	wrdreg $0xFFFFFFFF  }
0xc1: {  	_ =	task.clear_ibuf [dreg:s7], $0x2FFFF;
	_ =	strace $0x9FFFFFFF  }
0xc2: {  	(tm) =	ssettm $0x7FFFFFFF  }
0xc3: {  	_ =	shalt  }
tec
execute0_lowered:
.L_overlay_start_1:
0x0: {  	(tag) =	ssettag $0x1  }
0x1: {  	s2 =	rddreg [dreg:$0x0]  }
0x2: {  	s0 =	rddreg [dreg:$0x1]  }
0x3: {  	s5 =	stileid.u32;
	s3 =	simm.s32 $0x0;
	s1 =	srdreg.scid  }
0x4: {  	s4 =	sshll.u32 s5, $0x1;
	s1 =	sand.u32 $0x1, s1;
	[smem:$0x7FF] =	sst s3  }
0x5: {  	s5 =	sshrl.u32 s5, $0x2;
	s4 =	sand.u32 $0x6, s4;
	_ =	strace $0x80000047  }
0x6: {  	s25 =	ssub.s32 $0x2, s1;
	s10 =	sshll.u32 s5, $0x4;
	s6 =	sor.u32 s1, s4  }
0x7: {  	s4 =	sadd.s32 $0x1A00, s0;
	s0 =	sadd.s32 $0xE200, s0;
	s9 =	sshrl.u32 s25, $0x1  }
0x8: {  	[dreg:$0x3] =	wrdreg s0;
	s0 =	ssub.s32 s25, s9;
	s10 =	sadd.s32 s4, s10  }
0x9: {  	s0 =	smax.u32 s0, $0x1;
	[dreg:$0x4] =	wrdreg s10  }
0xa: {  	s12 =	sadd.s32 $0x40, s10;
	[dreg:$0x7] =	wrdreg s0  }
0xb: {  	s13 =	sadd.s32 $0x80, s10;
	[dreg:$0x8] =	wrdreg s12  }
0xc: {  	s28 =	simm.s32 $0x1A780;
	s14 =	sadd.s32 $0xC0, s10;
	[dreg:$0x9] =	wrdreg s13  }
0xd: {  	s29 =	simm.s32 $0x1A880;
	s15 =	sadd.s32 $0x100, s10;
	[dreg:$0xa] =	wrdreg s14  }
0xe: {  	s30 =	simm.s32 $0x1A980;
	s16 =	sadd.s32 $0x140, s10;
	[dreg:$0xb] =	wrdreg s15  }
0xf: {  	s31 =	simm.s32 $0x1AA80;
	s17 =	sadd.s32 $0x180, s10;
	[dreg:$0xc] =	wrdreg s16  }
0x10: {  	s7 =	smul.u32 $0x640000, s5;
	s18 =	sadd.s32 $0x1C0, s10;
	[dreg:$0xd] =	wrdreg s17  }
0x11: {  	s26 =	smul.u32 $0x1900000, s5;
	s19 =	sadd.s32 $0x200, s10;
	[dreg:$0xe] =	wrdreg s18  }
0x12: {  	s8 =	smul.u32 $0xC8000, s6;
	s20 =	sadd.s32 $0x240, s10;
	[dreg:$0xf] =	wrdreg s19  }
0x13: {  	s11 =	smul.u32 $0x320000, s6;
	s21 =	sadd.s32 $0x280, s10;
	[dreg:$0x10] =	wrdreg s20  }
0x14: {  	s6 =	sshll.u32 s5, $0x7;
	s22 =	sadd.s32 $0x2C0, s10;
	[dreg:$0x11] =	wrdreg s21  }
0x15: {  	s5 =	simm.s32 $0x1AE80;
	s23 =	sadd.s32 $0x300, s10;
	[dreg:$0x12] =	wrdreg s22  }
0x16: {  	s9 =	simm.s32 $0x1;
	s24 =	sadd.s32 $0x340, s10;
	[dreg:$0x13] =	wrdreg s23  }
0x17: {  	s25 =	sadd.s32 $0x380, s10;
	s7 =	sadd.s32 s7, s8;
	[dreg:$0x14] =	wrdreg s24  }
0x18: {  	s1 =	sadd.s32 s26, s11;
	[dreg:$0x15] =	wrdreg s25;
	s26 =	sadd.s32 $0x3C0, s10  }
0x19: {  	s19 =	simm.s32 $0x19080;
	s21 =	simm.s32 $0x1A180;
	s22 =	simm.s32 $0x1A280  }
0x1a: {  	s23 =	simm.s32 $0x1A380;
	s24 =	simm.s32 $0x1A480;
	s25 =	simm.s32 $0x1A580  }
0x1b: {  	s0 =	simm.s32 $0x1AB80;
	s10 =	simm.s32 $0x1AD80;
	s8 =	simm.s32 $0x1AF80  }
0x1c: {  	s11 =	simm.s32 $0x3;
	s12 =	simm.s32 $0x2;
	[dreg:$0x5] =	wrdreg s7  }
0x1d: {  	s13 =	simm.s32 $0x4;
	s14 =	simm.s32 $0x0;
	[dreg:$0x6] =	wrdreg s1  }
0x1e: {  	v0 =	vimm.f32 $0.0e+00;
	[dreg:$0x16] =	wrdreg s26;
	s26 =	simm.s32 $0x1A680;
	s1 =	simm.s32 $0x1AC80  }
.LBB2_1:
0x1f: {  	[dreg:$0x17] =	wrdreg s14;
	s16 =	simm.s32 $0x0  }
.LBB2_2:
0x20: {  	s14 =	simm.s32 $0x100;
	s7 =	simm.s32 $0x0  }
.LBB2_3:
0x21: {  	p0 =	sne.s32 s14, $0x63F00;
	[tilespmem:s7+$0x30] =	vst v0;
	s15 =	smov.u32 s14;
	s14 =	sadd.s32 $0x100, s14  }
.Ltmp0:
0x22: {  	[tilespmem:s7+$0x20] =	vst v0;
	(pc) =	sbr.rel @p0 .LBB2_3-.Ltmp0, $3  }
0x23: {  	[tilespmem:s7+$0x0] =	vst v0  }
0x24: {  	[tilespmem:s7+$0x10] =	vst v0;
	_ =	sdelay $0x1  }
0x25: {  	s7 =	sshra.s32 s15, $0x2  }
0x26: {  	[tilespmem:s7+$0x30] =	vst v0  }
0x27: {  	[tilespmem:s7+$0x20] =	vst v0  }
0x28: {  	[tilespmem:s7+$0x0] =	vst v0  }
0x29: {  	[tilespmem:s7+$0x10] =	vst v0;
	s14 =	simm.s32 $0x0;
	s17 =	rddreg [dreg:$0x4];
	s15 =	simm.s32 $0x19000  }
0x2a: {  	[tilespmem:s15], [sflag:$0x1] =	stream.linear.gather [hbm4b:s17+s14], $0x80, $0x38;
	[tilespmem:$0x1B000] =	vst v63  }
0x2b: {  	s18 =	rddreg [dreg:$0x8];
	s20 =	simm.s32 $0x19100  }
0x2c: {  	[tilespmem:s20], [sflag:$0x1] =	stream.linear.gather [hbm4b:s18+s14], $0x80, $0x38;
	[tilespmem:$0x1B000] =	vst v63  }
0x2d: {  	s15 =	rddreg [dreg:$0x9];
	s17 =	simm.s32 $0x19200  }
0x2e: {  	[tilespmem:s17], [sflag:$0x1] =	stream.linear.gather [hbm4b:s15+s14], $0x80, $0x38;
	[tilespmem:$0x1B000] =	vst v63  }
0x2f: {  	s18 =	rddreg [dreg:$0xa];
	s20 =	simm.s32 $0x19300  }
0x30: {  	[tilespmem:s20], [sflag:$0x1] =	stream.linear.gather [hbm4b:s18+s14], $0x80, $0x38;
	[tilespmem:$0x1B000] =	vst v63  }
0x31: {  	s15 =	rddreg [dreg:$0xb];
	s17 =	simm.s32 $0x19400  }
0x32: {  	[tilespmem:s17], [sflag:$0x1] =	stream.linear.gather [hbm4b:s15+s14], $0x80, $0x38;
	[tilespmem:$0x1B000] =	vst v63  }
0x33: {  	s18 =	rddreg [dreg:$0xc];
	s20 =	simm.s32 $0x19500  }
0x34: {  	[tilespmem:s20], [sflag:$0x1] =	stream.linear.gather [hbm4b:s18+s14], $0x80, $0x38;
	[tilespmem:$0x1B000] =	vst v63  }
0x35: {  	s15 =	rddreg [dreg:$0xd];
	s17 =	simm.s32 $0x19600  }
0x36: {  	[tilespmem:s17], [sflag:$0x1] =	stream.linear.gather [hbm4b:s15+s14], $0x80, $0x38;
	[tilespmem:$0x1B000] =	vst v63  }
0x37: {  	s18 =	rddreg [dreg:$0xe];
	s20 =	simm.s32 $0x19700  }
0x38: {  	[tilespmem:s20], [sflag:$0x1] =	stream.linear.gather [hbm4b:s18+s14], $0x80, $0x38;
	[tilespmem:$0x1B000] =	vst v63  }
0x39: {  	s15 =	rddreg [dreg:$0xf];
	s17 =	simm.s32 $0x19800  }
0x3a: {  	[tilespmem:s17], [sflag:$0x1] =	stream.linear.gather [hbm4b:s15+s14], $0x80, $0x38;
	[tilespmem:$0x1B000] =	vst v63  }
0x3b: {  	s18 =	rddreg [dreg:$0x10];
	s20 =	simm.s32 $0x19900  }
0x3c: {  	[tilespmem:s20], [sflag:$0x1] =	stream.linear.gather [hbm4b:s18+s14], $0x80, $0x38;
	[tilespmem:$0x1B000] =	vst v63  }
0x3d: {  	s15 =	rddreg [dreg:$0x11];
	s17 =	simm.s32 $0x19A00  }
0x3e: {  	[tilespmem:s17], [sflag:$0x1] =	stream.linear.gather [hbm4b:s15+s14], $0x80, $0x38;
	[tilespmem:$0x1B000] =	vst v63  }
0x3f: {  	s18 =	rddreg [dreg:$0x12];
	s20 =	simm.s32 $0x19B00  }
0x40: {  	[tilespmem:s20], [sflag:$0x1] =	stream.linear.gather [hbm4b:s18+s14], $0x80, $0x38;
	[tilespmem:$0x1B000] =	vst v63  }
0x41: {  	s15 =	rddreg [dreg:$0x13];
	s17 =	simm.s32 $0x19C00  }
0x42: {  	[tilespmem:s17], [sflag:$0x1] =	stream.linear.gather [hbm4b:s15+s14], $0x80, $0x38;
	[tilespmem:$0x1B000] =	vst v63  }
0x43: {  	s18 =	rddreg [dreg:$0x14];
	s20 =	simm.s32 $0x19D00  }
0x44: {  	[tilespmem:s20], [sflag:$0x1] =	stream.linear.gather [hbm4b:s18+s14], $0x80, $0x38;
	[tilespmem:$0x1B000] =	vst v63  }
0x45: {  	s15 =	rddreg [dreg:$0x15];
	s17 =	simm.s32 $0x19E00  }
0x46: {  	[tilespmem:s17], [sflag:$0x1] =	stream.linear.gather [hbm4b:s15+s14], $0x80, $0x38;
	[tilespmem:$0x1B000] =	vst v63  }
0x47: {  	s18 =	rddreg [dreg:$0x16];
	s20 =	simm.s32 $0x19F00;
	s17 =	sshll.u32 s16, $0x5  }
0x48: {  	[tilespmem:s20], [sflag:$0x1] =	stream.linear.gather [hbm4b:s18+s14], $0x80, $0x38;
	[tilespmem:$0x1B000] =	vst v63  }
0x49: {  	s18 =	sand.u32 $0x380, s17;
	s20 =	rddreg [dreg:$0x5]  }
0x4a: {  	s7 =	sor.u32 s20, s18  }
0x4b: {  	s15 =	sshrl.u32 s7, $0x3  }
0x4c: {  	s17 =	simm.s32 $0x1A000;
	s15 =	sadd.s32 s2, s15  }
0x4d: {  	[tilespmem:s17], [sflag:$0x3] =	stream.linear.gather [hbm4b:s15+s14], $0x80, $0x38;
	[tilespmem:$0x1B000] =	vst v63  }
0x4e: {  	s20 =	sadd.s32 $0x80, s15;
	s17 =	simm.s32 $0x1A100  }
0x4f: {  	[tilespmem:s17], [sflag:$0x3] =	stream.linear.gather [hbm4b:s20+s14], $0x80, $0x38;
	[tilespmem:$0x1B000] =	vst v63  }
0x50: {  	s17 =	sadd.s32 $0x100, s15;
	s20 =	simm.s32 $0x1A200  }
0x51: {  	[tilespmem:s20], [sflag:$0x3] =	stream.linear.gather [hbm4b:s17+s14], $0x80, $0x38;
	[tilespmem:$0x1B000] =	vst v63  }
0x52: {  	s17 =	sadd.s32 $0x180, s15;
	s20 =	simm.s32 $0x1A300  }
0x53: {  	[tilespmem:s20], [sflag:$0x3] =	stream.linear.gather [hbm4b:s17+s14], $0x80, $0x38;
	[tilespmem:$0x1B000] =	vst v63  }
0x54: {  	s17 =	sadd.s32 $0x200, s15;
	s20 =	simm.s32 $0x1A400  }
0x55: {  	[tilespmem:s20], [sflag:$0x3] =	stream.linear.gather [hbm4b:s17+s14], $0x80, $0x38;
	[tilespmem:$0x1B000] =	vst v63  }
0x56: {  	s17 =	sadd.s32 $0x280, s15;
	s20 =	simm.s32 $0x1A500  }
0x57: {  	[tilespmem:s20], [sflag:$0x3] =	stream.linear.gather [hbm4b:s17+s14], $0x80, $0x38;
	[tilespmem:$0x1B000] =	vst v63  }
0x58: {  	s17 =	sadd.s32 $0x300, s15;
	s20 =	simm.s32 $0x1A600  }
0x59: {  	[tilespmem:s20], [sflag:$0x3] =	stream.linear.gather [hbm4b:s17+s14], $0x80, $0x38;
	[tilespmem:$0x1B000] =	vst v63  }
0x5a: {  	s17 =	sadd.s32 $0x380, s15;
	s20 =	simm.s32 $0x1A700  }
0x5b: {  	[tilespmem:s20], [sflag:$0x3] =	stream.linear.gather [hbm4b:s17+s14], $0x80, $0x38;
	[tilespmem:$0x1B000] =	vst v63  }
0x5c: {  	s17 =	sadd.s32 $0x400, s15;
	s20 =	simm.s32 $0x1A800  }
0x5d: {  	[tilespmem:s20], [sflag:$0x3] =	stream.linear.gather [hbm4b:s17+s14], $0x80, $0x38;
	[tilespmem:$0x1B000] =	vst v63  }
0x5e: {  	s17 =	sadd.s32 $0x480, s15;
	s20 =	simm.s32 $0x1A900  }
0x5f: {  	[tilespmem:s20], [sflag:$0x3] =	stream.linear.gather [hbm4b:s17+s14], $0x80, $0x38;
	[tilespmem:$0x1B000] =	vst v63  }
0x60: {  	s17 =	sadd.s32 $0x500, s15;
	s20 =	simm.s32 $0x1AA00  }
0x61: {  	[tilespmem:s20], [sflag:$0x3] =	stream.linear.gather [hbm4b:s17+s14], $0x80, $0x38;
	[tilespmem:$0x1B000] =	vst v63  }
0x62: {  	s17 =	sadd.s32 $0x580, s15;
	s20 =	simm.s32 $0x1AB00  }
0x63: {  	[tilespmem:s20], [sflag:$0x3] =	stream.linear.gather [hbm4b:s17+s14], $0x80, $0x38;
	[tilespmem:$0x1B000] =	vst v63  }
0x64: {  	s17 =	sadd.s32 $0x600, s15;
	s20 =	simm.s32 $0x1AC00  }
0x65: {  	[tilespmem:s20], [sflag:$0x3] =	stream.linear.gather [hbm4b:s17+s14], $0x80, $0x38;
	[tilespmem:$0x1B000] =	vst v63  }
0x66: {  	[dreg:$0x19] =	wrdreg s18;
	s17 =	sadd.s32 $0x680, s15;
	s20 =	simm.s32 $0x1AD00  }
0x67: {  	[tilespmem:s20], [sflag:$0x3] =	stream.linear.gather [hbm4b:s17+s14], $0x80, $0x38;
	[tilespmem:$0x1B000] =	vst v63  }
0x68: {  	s18 =	smov.u32 s16;
	s17 =	sadd.s32 $0x700, s15;
	s20 =	simm.s32 $0x1AE00  }
0x69: {  	[tilespmem:s20], [sflag:$0x3] =	stream.linear.gather [hbm4b:s17+s14], $0x80, $0x38;
	[tilespmem:$0x1B000] =	vst v63  }
0x6a: {  	[dreg:$0x18] =	wrdreg s18;
	s17 =	sand.u32 $0x3, s18  }
0x6b: {  	s15 =	sadd.s32 $0x780, s15;
	s18 =	simm.s32 $0x1AF00;
	s16 =	smul.u32 $0x19000, s17  }
0x6c: {  	[tilespmem:s18], [sflag:$0x3] =	stream.linear.gather [hbm4b:s15+s14], $0x80, $0x38;
	[tilespmem:$0x1B000] =	vst v63  }
0x6d: {  	s20 =	sadd.s32 $0x19000, s16  }
0x6e: {  	[dreg:$0x1a] =	wrdreg s17;
	s15 =	simm.s32 $0x0;
	v1 =	vmov s16;
	v2 =	vmov s20  }
.LBB2_5:
0x6f: {  	s16 =	sshllo.u32 s15, $0x1  }
0x70: {  	s17 =	sshll.u32 s16, $0xD  }
0x71: {  	s17 =	sor.u32 s6, s17  }
0x72: {  	s17 =	sshrl.u32 s17, $0x3  }
0x73: {  	s17 =	sadd.s32 s4, s17  }
0x74: {  	[tilespmem:s19], [sflag:$0x2] =	stream.linear.gather [hbm4b:s17+s14], $0x80, $0x38;
	[tilespmem:$0x1B000] =	vst v63  }
0x75: {  	s20 =	simm.s32 $0x19180;
	s18 =	sadd.s32 $0x40, s17  }
0x76: {  	[tilespmem:s20], [sflag:$0x2] =	stream.linear.gather [hbm4b:s18+s14], $0x80, $0x38;
	[tilespmem:$0x1B000] =	vst v63  }
0x77: {  	s18 =	sadd.s32 $0x80, s17;
	s20 =	simm.s32 $0x19280  }
0x78: {  	[tilespmem:s20], [sflag:$0x2] =	stream.linear.gather [hbm4b:s18+s14], $0x80, $0x38;
	[tilespmem:$0x1B000] =	vst v63  }
0x79: {  	s18 =	sadd.s32 $0xC0, s17;
	s20 =	simm.s32 $0x19380  }
0x7a: {  	[tilespmem:s20], [sflag:$0x2] =	stream.linear.gather [hbm4b:s18+s14], $0x80, $0x38;
	[tilespmem:$0x1B000] =	vst v63  }
0x7b: {  	s18 =	sadd.s32 $0x100, s17;
	s20 =	simm.s32 $0x19480  }
0x7c: {  	[tilespmem:s20], [sflag:$0x2] =	stream.linear.gather [hbm4b:s18+s14], $0x80, $0x38;
	[tilespmem:$0x1B000] =	vst v63  }
0x7d: {  	s18 =	sadd.s32 $0x140, s17;
	s20 =	simm.s32 $0x19580  }
0x7e: {  	[tilespmem:s20], [sflag:$0x2] =	stream.linear.gather [hbm4b:s18+s14], $0x80, $0x38;
	[tilespmem:$0x1B000] =	vst v63  }
0x7f: {  	s18 =	sadd.s32 $0x180, s17;
	s20 =	simm.s32 $0x19680  }
0x80: {  	[tilespmem:s20], [sflag:$0x2] =	stream.linear.gather [hbm4b:s18+s14], $0x80, $0x38;
	[tilespmem:$0x1B000] =	vst v63  }
0x81: {  	s18 =	sadd.s32 $0x1C0, s17;
	s20 =	simm.s32 $0x19780  }
0x82: {  	[tilespmem:s20], [sflag:$0x2] =	stream.linear.gather [hbm4b:s18+s14], $0x80, $0x38;
	[tilespmem:$0x1B000] =	vst v63  }
0x83: {  	s18 =	sadd.s32 $0x200, s17;
	s20 =	simm.s32 $0x19880  }
0x84: {  	[tilespmem:s20], [sflag:$0x2] =	stream.linear.gather [hbm4b:s18+s14], $0x80, $0x38;
	[tilespmem:$0x1B000] =	vst v63  }
0x85: {  	s18 =	sadd.s32 $0x240, s17;
	s20 =	simm.s32 $0x19980  }
0x86: {  	[tilespmem:s20], [sflag:$0x2] =	stream.linear.gather [hbm4b:s18+s14], $0x80, $0x38;
	[tilespmem:$0x1B000] =	vst v63  }
0x87: {  	s18 =	sadd.s32 $0x280, s17;
	s20 =	simm.s32 $0x19A80  }
0x88: {  	[tilespmem:s20], [sflag:$0x2] =	stream.linear.gather [hbm4b:s18+s14], $0x80, $0x38;
	[tilespmem:$0x1B000] =	vst v63  }
0x89: {  	s18 =	sadd.s32 $0x2C0, s17;
	s20 =	simm.s32 $0x19B80  }
0x8a: {  	[tilespmem:s20], [sflag:$0x2] =	stream.linear.gather [hbm4b:s18+s14], $0x80, $0x38;
	[tilespmem:$0x1B000] =	vst v63  }
0x8b: {  	s18 =	sadd.s32 $0x300, s17;
	s20 =	simm.s32 $0x19C80  }
0x8c: {  	[tilespmem:s20], [sflag:$0x2] =	stream.linear.gather [hbm4b:s18+s14], $0x80, $0x38;
	[tilespmem:$0x1B000] =	vst v63  }
0x8d: {  	s16 =	sshll.u32 s16, $0xE;
	s18 =	sadd.s32 $0x340, s17;
	s20 =	simm.s32 $0x19D80  }
0x8e: {  	[tilespmem:s20], [sflag:$0x2] =	stream.linear.gather [hbm4b:s18+s14], $0x80, $0x38;
	[tilespmem:$0x1B000] =	vst v63  }
0x8f: {  	s16 =	sadd.s32 s7, s16;
	s18 =	sadd.s32 $0x380, s17;
	s20 =	simm.s32 $0x19E80  }
0x90: {  	[tilespmem:s20], [sflag:$0x2] =	stream.linear.gather [hbm4b:s18+s14], $0x80, $0x38;
	[tilespmem:$0x1B000] =	vst v63  }
0x91: {  	s16 =	sshrl.u32 s16, $0x3;
	s17 =	sadd.s32 $0x3C0, s17;
	s20 =	simm.s32 $0x19F80  }
0x92: {  	[tilespmem:s20], [sflag:$0x2] =	stream.linear.gather [hbm4b:s17+s14], $0x80, $0x38;
	[tilespmem:$0x1B000] =	vst v63  }
0x93: {  	s16 =	sadd.s32 s2, s16;
	s20 =	simm.s32 $0x1A080  }
0x94: {  	[tilespmem:s20], [sflag:$0x4] =	stream.linear.gather [hbm4b:s16+s14], $0x80, $0x38;
	[tilespmem:$0x1B000] =	vst v63  }
0x95: {  	s18 =	sadd.s32 $0x80, s16  }
0x96: {  	[tilespmem:s21], [sflag:$0x4] =	stream.linear.gather [hbm4b:s18+s14], $0x80, $0x38;
	[tilespmem:$0x1B000] =	vst v63  }
0x97: {  	s20 =	sadd.s32 $0x100, s16  }
0x98: {  	[tilespmem:s22], [sflag:$0x4] =	stream.linear.gather [hbm4b:s20+s14], $0x80, $0x38;
	[tilespmem:$0x1B000] =	vst v63  }
0x99: {  	s18 =	sadd.s32 $0x180, s16  }
0x9a: {  	[tilespmem:s23], [sflag:$0x4] =	stream.linear.gather [hbm4b:s18+s14], $0x80, $0x38;
	[tilespmem:$0x1B000] =	vst v63  }
0x9b: {  	s20 =	sadd.s32 $0x200, s16  }
0x9c: {  	[tilespmem:s24], [sflag:$0x4] =	stream.linear.gather [hbm4b:s20+s14], $0x80, $0x38;
	[tilespmem:$0x1B000] =	vst v63  }
0x9d: {  	s18 =	sadd.s32 $0x280, s16  }
0x9e: {  	[tilespmem:s25], [sflag:$0x4] =	stream.linear.gather [hbm4b:s18+s14], $0x80, $0x38;
	[tilespmem:$0x1B000] =	vst v63  }
0x9f: {  	s20 =	sadd.s32 $0x300, s16  }
0xa0: {  	[tilespmem:s26], [sflag:$0x4] =	stream.linear.gather [hbm4b:s20+s14], $0x80, $0x38;
	[tilespmem:$0x1B000] =	vst v63  }
0xa1: {  	s18 =	sadd.s32 $0x380, s16  }
0xa2: {  	[tilespmem:s28], [sflag:$0x4] =	stream.linear.gather [hbm4b:s18+s14], $0x80, $0x38;
	[tilespmem:$0x1B000] =	vst v63  }
0xa3: {  	s20 =	sadd.s32 $0x400, s16  }
0xa4: {  	[tilespmem:s29], [sflag:$0x4] =	stream.linear.gather [hbm4b:s20+s14], $0x80, $0x38;
	[tilespmem:$0x1B000] =	vst v63  }
0xa5: {  	s18 =	sadd.s32 $0x480, s16  }
0xa6: {  	[tilespmem:s30], [sflag:$0x4] =	stream.linear.gather [hbm4b:s18+s14], $0x80, $0x38;
	[tilespmem:$0x1B000] =	vst v63  }
0xa7: {  	s20 =	sadd.s32 $0x500, s16  }
0xa8: {  	[tilespmem:s31], [sflag:$0x4] =	stream.linear.gather [hbm4b:s20+s14], $0x80, $0x38;
	[tilespmem:$0x1B000] =	vst v63  }
0xa9: {  	s18 =	sadd.s32 $0x580, s16  }
0xaa: {  	[tilespmem:s0], [sflag:$0x4] =	stream.linear.gather [hbm4b:s18+s14], $0x80, $0x38;
	[tilespmem:$0x1B000] =	vst v63  }
0xab: {  	s20 =	sadd.s32 $0x600, s16  }
0xac: {  	[tilespmem:s1], [sflag:$0x4] =	stream.linear.gather [hbm4b:s20+s14], $0x80, $0x38;
	[tilespmem:$0x1B000] =	vst v63  }
0xad: {  	s18 =	sadd.s32 $0x680, s16  }
0xae: {  	[tilespmem:s10], [sflag:$0x4] =	stream.linear.gather [hbm4b:s18+s14], $0x80, $0x38;
	[tilespmem:$0x1B000] =	vst v63  }
0xaf: {  	s20 =	sadd.s32 $0x700, s16  }
0xb0: {  	[tilespmem:s5], [sflag:$0x4] =	stream.linear.gather [hbm4b:s20+s14], $0x80, $0x38;
	[tilespmem:$0x1B000] =	vst v63  }
0xb1: {  	s16 =	sadd.s32 $0x780, s16  }
0xb2: {  	[tilespmem:s8], [sflag:$0x4] =	stream.linear.gather [hbm4b:s16+s14], $0x80, $0x38;
	[tilespmem:$0x1B000] =	vst v63  }
0xb3: {  	_ =	swait.ge [sflag:s9], $0x800  }
0xb4: {  	[sflag:s9] =	ssyncset.done $0x0  }
0xb5: {  	[sflag:s9] =	ssyncadd.s32 $0xFFFFF800  }
0xb6: {  	_ =	swait.ge [sflag:s11], $0x800  }
0xb7: {  	[sflag:s11] =	ssyncset.done $0x0  }
0xb8: {  	s17 =	simm.s32 $0x0;
	s16 =	sshll.u32 s15, $0x1;
	[sflag:s11] =	ssyncadd.s32 $0xFFFFF800  }
.LBB2_6:
0xb9: {  	s18 =	sshra.s32 s17, $0x2  }
0xba: {  	v3 =	vld [tilespmem:s18+$0x19000];
	_ =	sdelay $0x4  }
0xbb: {  	vm0 =	vge.s32 v3, v1;
	vm1 =	vlt.s32 v3, v2  }
0xbc: {  	v3 =	vsub.s32 v3, v1;
	vm0 =	vmand vm0, vm1  }
0xbd: {  	v4 =	vld [tilespmem:s18+$0x1A000];
	v3 =	vnsel vm0, $0x0, v3;
	_ =	sdelay $0x4  }
0xbe: {  	[tilespmem:v3+s3+$0x0] =	vst.idx.add.f32.msk vm0, v4  }
0xbf: {  	v3 =	vld [tilespmem:s18+$0x19010];
	_ =	sdelay $0x4  }
0xc0: {  	vm14 =	vge.s32 v3, v1;
	vm15 =	vlt.s32 v3, v2  }
0xc1: {  	v3 =	vsub.s32 v3, v1;
	vm0 =	vmand vm14, vm15  }
0xc2: {  	v4 =	vld [tilespmem:s18+$0x1A010];
	v3 =	vnsel vm0, $0x0, v3;
	_ =	sdelay $0x4  }
0xc3: {  	[tilespmem:v3+s3+$0x0] =	vst.idx.add.f32.msk vm0, v4  }
0xc4: {  	v3 =	vld [tilespmem:s18+$0x19020];
	_ =	sdelay $0x4  }
0xc5: {  	vm4 =	vge.s32 v3, v1;
	vm5 =	vlt.s32 v3, v2  }
0xc6: {  	v3 =	vsub.s32 v3, v1;
	vm0 =	vmand vm4, vm5  }
0xc7: {  	v4 =	vld [tilespmem:s18+$0x1A020];
	v3 =	vnsel vm0, $0x0, v3;
	_ =	sdelay $0x4  }
0xc8: {  	[tilespmem:v3+s3+$0x0] =	vst.idx.add.f32.msk vm0, v4  }
0xc9: {  	v3 =	vld [tilespmem:s18+$0x19030];
	_ =	sdelay $0x4  }
0xca: {  	vm6 =	vge.s32 v3, v1;
	vm7 =	vlt.s32 v3, v2  }
0xcb: {  	v3 =	vsub.s32 v3, v1;
	vm0 =	vmand vm6, vm7  }
0xcc: {  	v4 =	vld [tilespmem:s18+$0x1A030];
	v3 =	vnsel vm0, $0x0, v3;
	_ =	sdelay $0x4  }
0xcd: {  	[tilespmem:v3+s3+$0x0] =	vst.idx.add.f32.msk vm0, v4  }
0xce: {  	v3 =	vld [tilespmem:s18+$0x19040];
	_ =	sdelay $0x4  }
0xcf: {  	vm8 =	vge.s32 v3, v1;
	vm9 =	vlt.s32 v3, v2  }
0xd0: {  	v3 =	vsub.s32 v3, v1;
	vm0 =	vmand vm8, vm9  }
0xd1: {  	v4 =	vld [tilespmem:s18+$0x1A040];
	v3 =	vnsel vm0, $0x0, v3;
	_ =	sdelay $0x4  }
0xd2: {  	[tilespmem:v3+s3+$0x0] =	vst.idx.add.f32.msk vm0, v4  }
0xd3: {  	v3 =	vld [tilespmem:s18+$0x19050];
	_ =	sdelay $0x4  }
0xd4: {  	vm10 =	vge.s32 v3, v1;
	vm11 =	vlt.s32 v3, v2  }
0xd5: {  	v3 =	vsub.s32 v3, v1;
	vm0 =	vmand vm10, vm11  }
0xd6: {  	v4 =	vld [tilespmem:s18+$0x1A050];
	v3 =	vnsel vm0, $0x0, v3;
	_ =	sdelay $0x4  }
0xd7: {  	[tilespmem:v3+s3+$0x0] =	vst.idx.add.f32.msk vm0, v4  }
0xd8: {  	v3 =	vld [tilespmem:s18+$0x19060];
	_ =	sdelay $0x4  }
0xd9: {  	vm12 =	vge.s32 v3, v1;
	vm13 =	vlt.s32 v3, v2  }
0xda: {  	v3 =	vsub.s32 v3, v1;
	vm0 =	vmand vm12, vm13  }
0xdb: {  	v4 =	vld [tilespmem:s18+$0x1A060];
	v3 =	vnsel vm0, $0x0, v3;
	_ =	sdelay $0x4  }
0xdc: {  	[tilespmem:v3+s3+$0x0] =	vst.idx.add.f32.msk vm0, v4  }
0xdd: {  	v3 =	vld [tilespmem:s18+$0x19070];
	_ =	sdelay $0x4  }
0xde: {  	vm14 =	vge.s32 v3, v1;
	vm15 =	vlt.s32 v3, v2  }
0xdf: {  	v3 =	vsub.s32 v3, v1;
	vm0 =	vmand vm14, vm15  }
0xe0: {  	p0 =	sne.s32 s17, $0x3C00;
	v4 =	vld [tilespmem:s18+$0x1A070];
	v3 =	vnsel vm0, $0x0, v3  }
.Ltmp1:
0xe1: {  	_ = 	snop;
	(pc) =	sbr.rel @p0 .LBB2_6-.Ltmp1, $2  }
0xe2: {  	_ =	sdelay $0x2  }
0xe3: {  	s17 =	sadd.s32 $0x400, s17;
	[tilespmem:v3+s3+$0x0] =	vst.idx.add.f32.msk vm0, v4  }
0xe4: {  	p0 =	seq.s32 s15, $0x18  }
.Ltmp2:
0xe5: {  	_ = 	snop;
	(pc) =	sbr.rel @p0 .LBB2_9-.Ltmp2, $1  }
0xe6: {  	_ =	sdelay $0x3  }
0xe7: {  	s16 =	sadd.s32 $0x2, s16  }
0xe8: {  	s17 =	sshll.u32 s16, $0xD  }
0xe9: {  	s17 =	sor.u32 s6, s17  }
0xea: {  	s17 =	sshrl.u32 s17, $0x3  }
0xeb: {  	s18 =	simm.s32 $0x19000;
	s17 =	sadd.s32 s4, s17  }
0xec: {  	[tilespmem:s18], [sflag:$0x1] =	stream.linear.gather [hbm4b:s17+s3], $0x80, $0x38;
	[tilespmem:$0x1B000] =	vst v63  }
0xed: {  	s19 =	simm.s32 $0x19100;
	s20 =	sadd.s32 $0x40, s17  }
0xee: {  	[tilespmem:s19], [sflag:$0x1] =	stream.linear.gather [hbm4b:s20+s3], $0x80, $0x38;
	[tilespmem:$0x1B000] =	vst v63  }
0xef: {  	s19 =	sadd.s32 $0x80, s17;
	s20 =	simm.s32 $0x19200  }
0xf0: {  	[tilespmem:s20], [sflag:$0x1] =	stream.linear.gather [hbm4b:s19+s3], $0x80, $0x38;
	[tilespmem:$0x1B000] =	vst v63  }
0xf1: {  	s19 =	sadd.s32 $0xC0, s17;
	s20 =	simm.s32 $0x19300  }
0xf2: {  	[tilespmem:s20], [sflag:$0x1] =	stream.linear.gather [hbm4b:s19+s3], $0x80, $0x38;
	[tilespmem:$0x1B000] =	vst v63  }
0xf3: {  	s19 =	sadd.s32 $0x100, s17;
	s20 =	simm.s32 $0x19400  }
0xf4: {  	[tilespmem:s20], [sflag:$0x1] =	stream.linear.gather [hbm4b:s19+s3], $0x80, $0x38;
	[tilespmem:$0x1B000] =	vst v63  }
0xf5: {  	s19 =	sadd.s32 $0x140, s17;
	s20 =	simm.s32 $0x19500  }
0xf6: {  	[tilespmem:s20], [sflag:$0x1] =	stream.linear.gather [hbm4b:s19+s3], $0x80, $0x38;
	[tilespmem:$0x1B000] =	vst v63  }
0xf7: {  	s19 =	sadd.s32 $0x180, s17;
	s20 =	simm.s32 $0x19600  }
0xf8: {  	[tilespmem:s20], [sflag:$0x1] =	stream.linear.gather [hbm4b:s19+s3], $0x80, $0x38;
	[tilespmem:$0x1B000] =	vst v63  }
0xf9: {  	s19 =	sadd.s32 $0x1C0, s17;
	s20 =	simm.s32 $0x19700  }
0xfa: {  	[tilespmem:s20], [sflag:$0x1] =	stream.linear.gather [hbm4b:s19+s3], $0x80, $0x38;
	[tilespmem:$0x1B000] =	vst v63  }
0xfb: {  	s19 =	sadd.s32 $0x200, s17;
	s20 =	simm.s32 $0x19800  }
0xfc: {  	[tilespmem:s20], [sflag:$0x1] =	stream.linear.gather [hbm4b:s19+s3], $0x80, $0x38;
	[tilespmem:$0x1B000] =	vst v63  }
0xfd: {  	s19 =	sadd.s32 $0x240, s17;
	s20 =	simm.s32 $0x19900  }
0xfe: {  	[tilespmem:s20], [sflag:$0x1] =	stream.linear.gather [hbm4b:s19+s3], $0x80, $0x38;
	[tilespmem:$0x1B000] =	vst v63  }
0xff: {  	s19 =	sadd.s32 $0x280, s17;
	s20 =	simm.s32 $0x19A00  }
0x100: {  	[tilespmem:s20], [sflag:$0x1] =	stream.linear.gather [hbm4b:s19+s3], $0x80, $0x38;
	[tilespmem:$0x1B000] =	vst v63  }
0x101: {  	s19 =	sadd.s32 $0x2C0, s17;
	s20 =	simm.s32 $0x19B00  }
0x102: {  	[tilespmem:s20], [sflag:$0x1] =	stream.linear.gather [hbm4b:s19+s3], $0x80, $0x38;
	[tilespmem:$0x1B000] =	vst v63  }
0x103: {  	s19 =	sadd.s32 $0x300, s17;
	s20 =	simm.s32 $0x19C00  }
0x104: {  	[tilespmem:s20], [sflag:$0x1] =	stream.linear.gather [hbm4b:s19+s3], $0x80, $0x38;
	[tilespmem:$0x1B000] =	vst v63  }
0x105: {  	s16 =	sshll.u32 s16, $0xE;
	s19 =	sadd.s32 $0x340, s17;
	s20 =	simm.s32 $0x19D00  }
0x106: {  	[tilespmem:s20], [sflag:$0x1] =	stream.linear.gather [hbm4b:s19+s3], $0x80, $0x38;
	[tilespmem:$0x1B000] =	vst v63  }
0x107: {  	s16 =	sadd.s32 s7, s16;
	s19 =	sadd.s32 $0x380, s17;
	s20 =	simm.s32 $0x19E00  }
0x108: {  	[tilespmem:s20], [sflag:$0x1] =	stream.linear.gather [hbm4b:s19+s3], $0x80, $0x38;
	[tilespmem:$0x1B000] =	vst v63  }
0x109: {  	s16 =	sshrl.u32 s16, $0x3;
	s17 =	sadd.s32 $0x3C0, s17;
	s20 =	simm.s32 $0x19F00  }
0x10a: {  	[tilespmem:s20], [sflag:$0x1] =	stream.linear.gather [hbm4b:s17+s3], $0x80, $0x38;
	[tilespmem:$0x1B000] =	vst v63  }
0x10b: {  	s16 =	sadd.s32 s2, s16;
	s20 =	simm.s32 $0x1A000  }
0x10c: {  	[tilespmem:s20], [sflag:$0x3] =	stream.linear.gather [hbm4b:s16+s3], $0x80, $0x38;
	[tilespmem:$0x1B000] =	vst v63  }
0x10d: {  	s18 =	sadd.s32 $0x80, s16;
	s20 =	simm.s32 $0x1A100  }
0x10e: {  	[tilespmem:s20], [sflag:$0x3] =	stream.linear.gather [hbm4b:s18+s3], $0x80, $0x38;
	[tilespmem:$0x1B000] =	vst v63  }
0x10f: {  	s18 =	sadd.s32 $0x100, s16;
	s20 =	simm.s32 $0x1A200  }
0x110: {  	[tilespmem:s20], [sflag:$0x3] =	stream.linear.gather [hbm4b:s18+s3], $0x80, $0x38;
	[tilespmem:$0x1B000] =	vst v63  }
0x111: {  	s18 =	sadd.s32 $0x180, s16;
	s20 =	simm.s32 $0x1A300  }
0x112: {  	[tilespmem:s20], [sflag:$0x3] =	stream.linear.gather [hbm4b:s18+s3], $0x80, $0x38;
	[tilespmem:$0x1B000] =	vst v63  }
0x113: {  	s18 =	sadd.s32 $0x200, s16;
	s20 =	simm.s32 $0x1A400  }
0x114: {  	[tilespmem:s20], [sflag:$0x3] =	stream.linear.gather [hbm4b:s18+s3], $0x80, $0x38;
	[tilespmem:$0x1B000] =	vst v63  }
0x115: {  	s18 =	sadd.s32 $0x280, s16;
	s20 =	simm.s32 $0x1A500  }
0x116: {  	[tilespmem:s20], [sflag:$0x3] =	stream.linear.gather [hbm4b:s18+s3], $0x80, $0x38;
	[tilespmem:$0x1B000] =	vst v63  }
0x117: {  	s18 =	sadd.s32 $0x300, s16;
	s20 =	simm.s32 $0x1A600  }
0x118: {  	[tilespmem:s20], [sflag:$0x3] =	stream.linear.gather [hbm4b:s18+s3], $0x80, $0x38;
	[tilespmem:$0x1B000] =	vst v63  }
0x119: {  	s18 =	sadd.s32 $0x380, s16;
	s20 =	simm.s32 $0x1A700  }
0x11a: {  	[tilespmem:s20], [sflag:$0x3] =	stream.linear.gather [hbm4b:s18+s3], $0x80, $0x38;
	[tilespmem:$0x1B000] =	vst v63  }
0x11b: {  	s18 =	sadd.s32 $0x400, s16;
	s20 =	simm.s32 $0x1A800  }
0x11c: {  	[tilespmem:s20], [sflag:$0x3] =	stream.linear.gather [hbm4b:s18+s3], $0x80, $0x38;
	[tilespmem:$0x1B000] =	vst v63  }
0x11d: {  	s18 =	sadd.s32 $0x480, s16;
	s20 =	simm.s32 $0x1A900  }
0x11e: {  	[tilespmem:s20], [sflag:$0x3] =	stream.linear.gather [hbm4b:s18+s3], $0x80, $0x38;
	[tilespmem:$0x1B000] =	vst v63  }
0x11f: {  	s18 =	sadd.s32 $0x500, s16;
	s20 =	simm.s32 $0x1AA00  }
0x120: {  	[tilespmem:s20], [sflag:$0x3] =	stream.linear.gather [hbm4b:s18+s3], $0x80, $0x38;
	[tilespmem:$0x1B000] =	vst v63  }
0x121: {  	s18 =	sadd.s32 $0x580, s16;
	s20 =	simm.s32 $0x1AB00  }
0x122: {  	[tilespmem:s20], [sflag:$0x3] =	stream.linear.gather [hbm4b:s18+s3], $0x80, $0x38;
	[tilespmem:$0x1B000] =	vst v63  }
0x123: {  	s18 =	sadd.s32 $0x600, s16;
	s20 =	simm.s32 $0x1AC00  }
0x124: {  	[tilespmem:s20], [sflag:$0x3] =	stream.linear.gather [hbm4b:s18+s3], $0x80, $0x38;
	[tilespmem:$0x1B000] =	vst v63  }
0x125: {  	s18 =	sadd.s32 $0x680, s16;
	s20 =	simm.s32 $0x1AD00  }
0x126: {  	[tilespmem:s20], [sflag:$0x3] =	stream.linear.gather [hbm4b:s18+s3], $0x80, $0x38;
	[tilespmem:$0x1B000] =	vst v63  }
0x127: {  	s18 =	sadd.s32 $0x700, s16;
	s20 =	simm.s32 $0x1AE00  }
0x128: {  	[tilespmem:s20], [sflag:$0x3] =	stream.linear.gather [hbm4b:s18+s3], $0x80, $0x38;
	[tilespmem:$0x1B000] =	vst v63  }
0x129: {  	s19 =	simm.s32 $0x19080;
	s16 =	sadd.s32 $0x780, s16;
	s20 =	simm.s32 $0x1AF00  }
0x12a: {  	[tilespmem:s20], [sflag:$0x3] =	stream.linear.gather [hbm4b:s16+s3], $0x80, $0x38;
	[tilespmem:$0x1B000] =	vst v63  }
.LBB2_9:
0x12b: {  	_ =	swait.ge [sflag:s12], $0x800  }
0x12c: {  	[sflag:s12] =	ssyncset.done $0x0  }
0x12d: {  	[sflag:s12] =	ssyncadd.s32 $0xFFFFF800  }
0x12e: {  	_ =	swait.ge [sflag:s13], $0x800  }
0x12f: {  	[sflag:s13] =	ssyncset.done $0x0  }
0x130: {  	s16 =	simm.s32 $0x0;
	[sflag:s13] =	ssyncadd.s32 $0xFFFFF800  }
.LBB2_10:
0x131: {  	s17 =	sshra.s32 s16, $0x2  }
0x132: {  	v3 =	vld [tilespmem:s17+$0x19080];
	_ =	sdelay $0x4  }
0x133: {  	vm0 =	vge.s32 v3, v1;
	vm1 =	vlt.s32 v3, v2  }
0x134: {  	v3 =	vsub.s32 v3, v1;
	vm0 =	vmand vm0, vm1  }
0x135: {  	v4 =	vld [tilespmem:s17+$0x1A080];
	v3 =	vnsel vm0, $0x0, v3;
	_ =	sdelay $0x4  }
0x136: {  	[tilespmem:v3+s3+$0x0] =	vst.idx.add.f32.msk vm0, v4  }
0x137: {  	v3 =	vld [tilespmem:s17+$0x19090];
	_ =	sdelay $0x4  }
0x138: {  	vm14 =	vge.s32 v3, v1;
	vm15 =	vlt.s32 v3, v2  }
0x139: {  	v3 =	vsub.s32 v3, v1;
	vm0 =	vmand vm14, vm15  }
0x13a: {  	v4 =	vld [tilespmem:s17+$0x1A090];
	v3 =	vnsel vm0, $0x0, v3;
	_ =	sdelay $0x4  }
0x13b: {  	[tilespmem:v3+s3+$0x0] =	vst.idx.add.f32.msk vm0, v4  }
0x13c: {  	v3 =	vld [tilespmem:s17+$0x190A0];
	_ =	sdelay $0x4  }
0x13d: {  	vm4 =	vge.s32 v3, v1;
	vm5 =	vlt.s32 v3, v2  }
0x13e: {  	v3 =	vsub.s32 v3, v1;
	vm0 =	vmand vm4, vm5  }
0x13f: {  	v4 =	vld [tilespmem:s17+$0x1A0A0];
	v3 =	vnsel vm0, $0x0, v3;
	_ =	sdelay $0x4  }
0x140: {  	[tilespmem:v3+s3+$0x0] =	vst.idx.add.f32.msk vm0, v4  }
0x141: {  	v3 =	vld [tilespmem:s17+$0x190B0];
	_ =	sdelay $0x4  }
0x142: {  	vm6 =	vge.s32 v3, v1;
	vm7 =	vlt.s32 v3, v2  }
0x143: {  	v3 =	vsub.s32 v3, v1;
	vm0 =	vmand vm6, vm7  }
0x144: {  	v4 =	vld [tilespmem:s17+$0x1A0B0];
	v3 =	vnsel vm0, $0x0, v3;
	_ =	sdelay $0x4  }
0x145: {  	[tilespmem:v3+s3+$0x0] =	vst.idx.add.f32.msk vm0, v4  }
0x146: {  	v3 =	vld [tilespmem:s17+$0x190C0];
	_ =	sdelay $0x4  }
0x147: {  	vm8 =	vge.s32 v3, v1;
	vm9 =	vlt.s32 v3, v2  }
0x148: {  	v3 =	vsub.s32 v3, v1;
	vm0 =	vmand vm8, vm9  }
0x149: {  	v4 =	vld [tilespmem:s17+$0x1A0C0];
	v3 =	vnsel vm0, $0x0, v3;
	_ =	sdelay $0x4  }
0x14a: {  	[tilespmem:v3+s3+$0x0] =	vst.idx.add.f32.msk vm0, v4  }
0x14b: {  	v3 =	vld [tilespmem:s17+$0x190D0];
	_ =	sdelay $0x4  }
0x14c: {  	vm10 =	vge.s32 v3, v1;
	vm11 =	vlt.s32 v3, v2  }
0x14d: {  	v3 =	vsub.s32 v3, v1;
	vm0 =	vmand vm10, vm11  }
0x14e: {  	v4 =	vld [tilespmem:s17+$0x1A0D0];
	v3 =	vnsel vm0, $0x0, v3;
	_ =	sdelay $0x4  }
0x14f: {  	[tilespmem:v3+s3+$0x0] =	vst.idx.add.f32.msk vm0, v4  }
0x150: {  	v3 =	vld [tilespmem:s17+$0x190E0];
	_ =	sdelay $0x4  }
0x151: {  	vm12 =	vge.s32 v3, v1;
	vm13 =	vlt.s32 v3, v2  }
0x152: {  	v3 =	vsub.s32 v3, v1;
	vm0 =	vmand vm12, vm13  }
0x153: {  	v4 =	vld [tilespmem:s17+$0x1A0E0];
	v3 =	vnsel vm0, $0x0, v3;
	_ =	sdelay $0x4  }
0x154: {  	[tilespmem:v3+s3+$0x0] =	vst.idx.add.f32.msk vm0, v4  }
0x155: {  	v3 =	vld [tilespmem:s17+$0x190F0];
	_ =	sdelay $0x4  }
0x156: {  	vm14 =	vge.s32 v3, v1;
	vm15 =	vlt.s32 v3, v2  }
0x157: {  	v3 =	vsub.s32 v3, v1;
	vm0 =	vmand vm14, vm15  }
0x158: {  	p0 =	sne.s32 s16, $0x3C00;
	v4 =	vld [tilespmem:s17+$0x1A0F0];
	v3 =	vnsel vm0, $0x0, v3  }
.Ltmp3:
0x159: {  	_ = 	snop;
	(pc) =	sbr.rel @p0 .LBB2_10-.Ltmp3, $2  }
0x15a: {  	_ =	sdelay $0x2  }
0x15b: {  	s16 =	sadd.s32 $0x400, s16;
	[tilespmem:v3+s3+$0x0] =	vst.idx.add.f32.msk vm0, v4  }
0x15c: {  	s15 =	sadd.s32 $0x1, s15  }
0x15d: {  	p0 =	sne.s32 s15, $0x19  }
.Ltmp4:
0x15e: {  	_ = 	snop;
	(pc) =	sbr.rel @p0 .LBB2_5-.Ltmp4, $1  }
0x15f: {  	_ =	sdelay $0x3  }
0x160: {  	s7 =	rddreg [dreg:$0x1a]  }
0x161: {  	s7 =	smul.u32 $0xC8000, s7  }
0x162: {  	s14 =	rddreg [dreg:$0x6]  }
0x163: {  	s16 =	rddreg [dreg:$0x19];
	s7 =	sadd.s32 s7, s14  }
0x164: {  	s7 =	sor.u32 s16, s7  }
0x165: {  	s17 =	rddreg [dreg:$0x3];
	s18 =	simm.s32 $0x80;
	s7 =	sshrl.u32 s7, $0x3  }
0x166: {  	s15 =	simm.s32 $0x400;
	s20 =	simm.s32 $0x5;
	s7 =	sadd.s32 s17, s7  }
0x167: {  	[hbm4b:s7+s18] =	stream.strided.scatter [tilespmem:s3], [sflag:$0x5], $0x19000, s15, s18, $0x38;
	[tilespmem:$0x1B000] =	vst v63  }
0x168: {  	_ =	swait.ge [sflag:s20], $0x19000  }
0x169: {  	s16 =	rddreg [dreg:$0x18]  }
0x16a: {  	s16 =	sadd.s32 $0x1, s16  }
0x16b: {  	p0 =	sne.s32 s16, $0x20  }
.Ltmp5:
0x16c: {  	_ = 	snop;
	(pc) =	sbr.rel @p0 .LBB2_2-.Ltmp5, $3  }
0x16d: {  	_ =	sdelay $0x1  }
0x16e: {  	[sflag:s20] =	ssyncset.done $0x0  }
0x16f: {  	[sflag:s20] =	ssyncadd.s32 $0xFFFE7000  }
0x170: {  	s14 =	rddreg [dreg:$0x17]  }
0x171: {  	s7 =	rddreg [dreg:$0x7];
	s14 =	sadd.s32 $0x1, s14  }
0x172: {  	p0 =	sne.s32 s14, s7  }
.Ltmp6:
0x173: {  	_ = 	snop;
	(pc) =	sbr.rel @p0 .LBB2_1-.Ltmp6, $1  }
0x174: {  	_ =	sdelay $0x3  }
0x175: {  	_ =	sfence.sel $0x180000  }
0x176: {  	[bflag:$0x0] =	sbarrier.arrive $0xFFFF  }
0x177: {  	_ =	strace $0x90000047  }
0x178: {  	s0 =	stileid.u32;
	[bflag:$0x2] =	sbarrier.arrive $0xFFFF  }
0x179: {  	p0 =	sne.s32 s0, $0x0;
	s0 =	rddreg [dreg:$0x2]  }
0x17a: {  	s0 =	sadd.s32 @!p0 $0x100000, s0  }
0x17b: {  	[sflag:s0] =	ssyncadd.tile.s32 @!p0 $0x1;
	_ =	shalt  }
.Lfunc_end2:
_tile_overlayer_lowered:
.L_overlay_start_2:
0x17c: {  	(tag) =	ssettag $0x2  }
0x17d: {  	s0 =	rddreg [dreg:$0x0];
	s2 =	stileid.u32  }
0x17e: {  	s1 =	rddreg [dreg:$0x1];
	p0 =	sne.s32 s2, $0x0  }
0x17f: {  	s3 =	rddreg [dreg:$0x2];
	[bflag:$0x3] =	sbarrier.arrive $0xFFFF;
	s2 =	simm.s32 @!p0 $0x1C05  }
0x180: {  	[timem:s3], [sflag:s2] =	dma.local @!p0 [hbm:s0], s1  }
0x181: {  	s0 =	simm.s32 @!p0 $0x5  }
0x182: {  	_ =	swait.ge @!p0 [sflag:s0], s1  }
0x183: {  	s1 =	ssub.s32 @!p0 $0x0, s1;
	[sflag:s0] =	ssyncset.done @!p0 $0x0  }
0x184: {  	[sflag:s0] =	ssyncadd.s32 @!p0 s1  }
0x185: {  	[bflag:$0x3] =	sbarrier.arrive $0xFFFF  }
0x186: {  	_ =	shalt  }

// kernel: sparse-core-data-format-call.cloned.1.call-start
scs
called_computation_lowered:
.L_overlay_start_0:
0x0: {  	s2 =	sld [smem:$0x3FD9]  }
0x1: {  	s3 =	sld [smem:$0x3FFE];
	_ =	sdelay $0x1  }
0x2: {  	s1 =	srdreg.scid  }
0x3: {  	s0 =	sand.u32 $0x1, s1  }
0x4: {  	s18 =	sshll.u32 s0, $0xA;
	s2 =	sadd.s32 s3, s2  }
0x5: {  	s2 =	sadd.s32 s2, s18  }
0x6: {  	[smem:$0x3FBE] =	sst s2  }
0x7: {  	_ = 	snop  }
0x8: {  	s2 =	sld [smem:$0x3FD0];
	(tm) =	ssettm $0x1  }
0x9: {  	s19 =	sld [smem:$0x3FFB];
	_ =	sdelay $0x3  }
0xa: {  	_ =	strace s19  }
0xb: {  	s3 =	sld [smem:$0x3FFC];
	_ =	sdelay $0x3  }
0xc: {  	_ =	strace s3  }
0xd: {  	s3 =	sld [smem:$0x3FFD];
	_ =	sdelay $0x3  }
0xe: {  	_ =	strace s3  }
0xf: {  	_ =	strace $0x8FFFFFFF  }
0x10: {  	s20 =	sld [smem:$0x3FDB];
	_ =	sdelay $0x1  }
0x11: {  	s4 =	simm.s32 $_scs_section_size  }
0x12: {  	s5 =	simm.s32 $_size__tile_overlayer_lowered;
	s6 =	simm.s32 $_tile_overlayer_lowered  }
0x13: {  	s23 =	simm.s32 $0x1BFF;
	s22 =	sshll.u32 s6, $0x1;
	s3 =	sadd.s32 s4, s20  }
0x14: {  	s7 =	simm.s32 $0x0;
	s21 =	sshll.u32 s5, $0x1;
	s5 =	sadd.s32 s22, s3  }
0x15: {  	[timem:s7], [sflag:s23] =	dma.local [hbm:s5], s21  }
0x16: {  	_ =	swait.ge [sflag:s23], s21  }
0x17: {  	s4 =	ssub.s32 $0x0, s21;
	[sflag:s23] =	ssyncset.done $0x0  }
0x18: {  	[sflag:s23] =	ssyncadd.s32 s4;
	_ =	sdelay $0x1  }
0x19: {  	s24 =	simm.s32 $0x1B8B  }
0x1a: {  	_ =	swait.ge [sflag:s24], $0x1  }
0x1b: {  	[sflag:s24] =	ssyncset.done $0x0  }
0x1c: {  	s26 =	simm.s32 $0x1B8E;
	s25 =	sld [smem:$0x3FFE];
	[sflag:s24] =	ssyncadd.s32 $0xFFFFFFFF  }
0x1d: {  	s27 =	simm.s32 $execute0_lowered;
	[smem:$0x3FD2] =	sst s26  }
0x1e: {  	s5 =	sshll.u32 s27, $0x1;
	_ =	strace $0x80000049;
	[dreg:$0x1] =	wrdreg $0xFFFFFFFF  }
0x1f: {  	s28 =	simm.s32 $_size_execute0_lowered;
	s3 =	sadd.s32 s3, s5;
	[dreg:$0x0] =	wrdreg $0x0  }
0x20: {  	s5 =	sshll.u32 s28, $0x1;
	[dreg:$0x2] =	wrdreg s3  }
0x21: {  	[dreg:$0x3] =	wrdreg s5  }
0x22: {  	[dreg:$0x4] =	wrdreg $0xC0  }
0x23: {  	_ =	task [dreg:s7], $0x5FFFF  }
0x24: {  	[dreg:$0x1] =	wrdreg $0xFFFFFFFF  }
0x25: {  	[dreg:$0x0] =	wrdreg $0x60  }
0x26: {  	[dreg:$0x2] =	wrdreg s25  }
0x27: {  	[dreg:$0x3] =	wrdreg s2  }
0x28: {  	[dreg:$0x4] =	wrdreg $0x9  }
0x29: {  	_ =	task.clear_ibuf [dreg:s7], $0x5FFFF;
	_ =	strace $0x90000049  }
0x2a: {  	s29 =	simm.s32 $0x9;
	_ =	strace $0x8000004B  }
0x2b: {  	_ =	swait.ge [sflag:s29], $0x1  }
0x2c: {  	[sflag:s29] =	ssyncadd.s32 $0xFFFFFFFF  }
0x2d: {  	_ =	strace $0x9000004B  }
0x2e: {  	_ =	sfence  }
0x2f: {  	s30 =	sld [smem:$0x0];
	_ =	sdelay $0x2  }
0x30: {  	s31 =	sshll.u32 s1, $0xD;
	s1 =	sshrl.u32 s1, $0x2  }
0x31: {  	s3 =	sand.u32 $0x4000, s31;
	s1 =	sadd.s32 s1, s30  }
0x32: {  	s0 =	sor.u32 s3, s0;
	s1 =	sshll.u32 s1, $0x11  }
0x33: {  	s0 =	sor.u32 s1, s0  }
0x34: {  	s0 =	sadd.s32 $0x8F2B, s0  }
0x35: {  	[sflag:s0] =	ssyncadd.remote.s32 $0x1  }
0x36: {  	_ =	sfence.sel $0xFFFF  }
0x37: {  	[dreg:$0x0] =	wrdreg $0xFFFFFFFF;
	(pc) =	sbr.abs _section_cstart, $3  }
0x38: {  	[dreg:$0x1] =	wrdreg $0xFFFFFFFF  }
0x39: {  	_ =	task.clear_ibuf [dreg:s7], $0x2FFFF;
	_ =	strace $0x9FFFFFFF  }
0x3a: {  	(tm) =	ssettm $0x7FFFFFFF  }
0x3b: {  	_ =	shalt  }
tec
execute0_lowered:
.L_overlay_start_1:
0x0: {  	(tag) =	ssettag $0x1  }
0x1: {  	s1 =	rddreg [dreg:$0x0]  }
0x2: {  	s2 =	rddreg [dreg:$0x1]  }
0x3: {  	s0 =	rddreg [dreg:$0x2];
	_ =	strace $0x8000004A;
	s4 =	srdreg.scid  }
0x4: {  	s6 =	simm.s32 $0x2;
	s14 =	simm.s32 $0x0;
	p0 =	por $0x0, $0x0  }
0x5: {  	s12 =	simm.s32 $0x0;
	s15 =	simm.s32 $0x0;
	s13 =	simm.s32 $0x0  }
.Ltmp0:
0x6: {  	s8 =	simm.s32 $0x0;
	s9 =	simm.s32 $0x0;
	(pc) =	sbr.rel .LBB1_1-.Ltmp0, $4  }
0x7: {  	s10 =	simm.s32 $0x0;
	s3 =	sadd.s32 $0xE200, s1;
	s5 =	sshll.u32 s4, $0x4  }
0x8: {  	s1 =	stileid.u32;
	s4 =	simm.s32 $0x1;
	s5 =	sand.u32 $0x10, s5  }
0x9: {  	s7 =	simm.s32 $0x0;
	[sflag:s4] =	ssyncpa.u1 $0x0;
	s5 =	sor.u32 s1, s5  }
0xa: {  	[sflag:s6] =	ssyncpa.u1 $0x0;
	s6 =	simm.s32 $0x1400;
	s11 =	smov.u32 s5  }
.LBB1_5:
0xb: {  	s16 =	sadd.s32 $0x80, s8  }
0xc: {  	s12 =	simm.s32 $0x1;
	p2 =	sgt.s32 s16, $0x27F  }
0xd: {  	s12 =	simm.s32 @!p2 $0x0  }
0xe: {  	s17 =	sadd.s32 s12, s9  }
0xf: {  	s18 =	smov.u32 s10;
	s12 =	sadd.s32 $0x80, s10;
	p3 =	sgt.s32 s17, $0x7  }
0x10: {  	s18 =	smov.u32 @p3 s12  }
0x11: {  	s19 =	smov.u32 s11;
	s12 =	sadd.s32 $0x20, s11;
	p4 =	sgt.s32 s18, $0x27F  }
0x12: {  	p1 =	slt.u32 s7, $0x2;
	s19 =	smov.u32 @p4 s12  }
0x13: {  	s7 =	sadd.s32 $0x1, s7;
	s16 =	simm.s32 @p2 $0x0;
	p2 =	sgt.s32 s19, $0x1F  }
0x14: {  	s20 =	simm.s32 @!p1 $0x2;
	s19 =	smov.u32 @p2 s5;
	p2 =	sne.s32 s7, $0xCA  }
.Ltmp1:
0x15: {  	s14 =	smov.u32 s8;
	_ =	swait.ge @!p1 [sflag:s20], $0x4000;
	(pc) =	sbr.rel @!p2 .LBB1_6-.Ltmp1, $4  }
0x16: {  	s15 =	smov.u32 s10;
	s13 =	smov.u32 s11;
	[sflag:s20] =	ssyncset.done @!p1 $0x0  }
0x17: {  	p0 =	por !p0, !p0;
	s8 =	smov.u32 s16;
	[sflag:s20] =	ssyncadd.s32 @!p1 $0xFFFFC000  }
0x18: {  	s17 =	simm.s32 @p3 $0x0;
	s18 =	simm.s32 @p4 $0x0;
	s12 =	smov.u32 s9  }
0x19: {  	s9 =	smov.u32 s17;
	s10 =	smov.u32 s18;
	s11 =	smov.u32 s19  }
.LBB1_1:
0x1a: {  	p1 =	sgt.u32 s7, $0xC7  }
0x1b: {  	s16 =	sshrl.u32 @!p1 s9, $0x3  }
0x1c: {  	s17 =	sshll.u32 @!p1 s8, $0x3;
	s16 =	smul.u32 @!p1 $0x1400, s16  }
0x1d: {  	s18 =	sshll.u32 @!p1 s9, $0x7;
	s17 =	sand.u32 @!p1 $0xFFFFFC00, s17  }
0x1e: {  	s16 =	sadd.s32 @!p1 s16, s17;
	s17 =	sand.u32 @!p1 $0x380, s18  }
0x1f: {  	s18 =	sand.u32 @!p1 $0x7F, s8;
	s16 =	sor.u32 @!p1 s17, s16  }
0x20: {  	s17 =	sor.u32 @!p1 s18, s16  }
0x21: {  	s18 =	smulhi.u32 @!p1 $0xCCCCCCCD, s17  }
0x22: {  	s16 =	smulhi.u32 @!p1 $0xCCCCCCCD, s16  }
0x23: {  	s20 =	smul.u32 @!p1 $0x64000, s11;
	s18 =	sshrl.u32 @!p1 s18, $0x9  }
0x24: {  	s19 =	sxor.u32 @!p1 $0xFFFFFFFF, s7;
	s16 =	sshrl.u32 @!p1 s16, $0x9;
	s18 =	smul.u32 @!p1 $0x280, s18  }
0x25: {  	s21 =	smul.u32 @!p1 $0x280, s10;
	s19 =	sshll.u32 @!p1 s19, $0xE;
	s16 =	sand.u32 @!p1 $0x7, s16  }
0x26: {  	s16 =	smul.u32 @!p1 $0x50, s16;
	s17 =	ssub.s32 @!p1 s17, s18;
	s18 =	sadd.s32 @!p1 s3, s20  }
0x27: {  	s19 =	sand.u32 @!p1 $0x4000, s19;
	s18 =	sadd.s32 @!p1 s21, s18;
	s20 =	sand.u32 @!p1 $0x7, s17  }
0x28: {  	s17 =	sshrl.u32 @!p1 s17, $0x3;
	s16 =	sadd.s32 @!p1 s16, s18;
	s18 =	sshll.u32 @!p1 s20, $0x12  }
0x29: {  	s16 =	sadd.s32 @!p1 s17, s16;
	s17 =	sor.u32 @!p1 $0x80, s18;
	s18 =	simm.s32 @!p1 $0x1400  }
0x2a: {  	[tilespmem:s19], [sflag:$0x1] =	stream.strided.gather @!p1 [hbm4b:s16+s17], $0x4000, s18, s17, $0x38;
	[tilespmem:$0x10000] =	vst v63  }
0x2b: {  	p1 =	seq.s32 s7, $0x0  }
0x2c: {  	p2 =	seq.s32 @!p1 s7, $0xC9  }
0x2d: {  	p1 =	por p1, p2  }
.Ltmp2:
0x2e: {  	_ = 	snop;
	(pc) =	sbr.rel @p1 .LBB1_5-.Ltmp2, $1  }
0x2f: {  	_ =	sdelay $0x3  }
0x30: {  	s16 =	simm.s32 $0x1  }
0x31: {  	s16 =	simm.s32 @!p0 $0x0  }
0x32: {  	s16 =	sshll.u32 s16, $0xE  }
0x33: {  	s17 =	sor.u32 $0x70, s16  }
0x34: {  	v1 =	vmov s17;
	_ =	sdelay $0x1  }
0x35: {  	_ =	swait.ge [sflag:s4], $0x4000  }
0x36: {  	[sflag:s4] =	ssyncset.done $0x0  }
0x37: {  	s18 =	simm.s32 $0x0;
	[sflag:s4] =	ssyncadd.s32 $0xFFFFC000  }
0x38: {  	s16 =	sor.u32 $0x8040, s16;
	v6 =	vld.idx.msk [tilespmem:v1+s18+$0x0 ss:$0x1], $0xffff  }
0x39: {  	v0 =	vmov s16;
	v8 =	vld.idx.msk [tilespmem:v1+s18+$0xFFFFFF90 ss:$0x1], $0xffff  }
0x3a: {  	v7 =	vld.idx.msk [tilespmem:v1+s18+$0xFFFFFFA0 ss:$0x1], $0xffff  }
0x3b: {  	v5 =	vld.idx.msk [tilespmem:v1+s18+$0xFFFFFFB0 ss:$0x1], $0xffff  }
0x3c: {  	v4 =	vld.idx.msk [tilespmem:v1+s18+$0xFFFFFFC0 ss:$0x1], $0xffff  }
0x3d: {  	s31 =	sshll.u32 s7, $0xE;
	v2 =	vld.idx.msk [tilespmem:v1+s18+$0xFFFFFFD0 ss:$0x1], $0xffff  }
0x3e: {  	s16 =	sand.u32 $0x4000, s31;
	v3 =	vld.idx.msk [tilespmem:v1+s18+$0xFFFFFFE0 ss:$0x1], $0xffff;
	[tilespmem:v0+s18+$0x30 ss:$0x1] =	vst.idx.msk $0xffff, v6  }
0x3f: {  	s19 =	simm.s32 $0x400;
	s17 =	simm.s32 $0x80;
	s16 =	sor.u32 $0x8000, s16;
	[tilespmem:v0+s18+$0xFFFFFFC0 ss:$0x1] =	vst.idx.msk $0xffff, v8;
	v6 =	vld.idx.msk [tilespmem:v1+s18+$0xFFFFFFF0 ss:$0x1], $0xffff  }
.LBB1_3:
0x40: {  	p1 =	sne.s32 s19, $0xFE00;
	v8 =	vld.idx.msk [tilespmem:v1+s17+$0x0 ss:$0x1], $0xffff;
	[tilespmem:v0+s18+$0xFFFFFFD0 ss:$0x1] =	vst.idx.msk $0xffff, v7  }
0x41: {  	v9 =	vld.idx.msk [tilespmem:v1+s17+$0xFFFFFF90 ss:$0x1], $0xffff;
	[tilespmem:v0+s18+$0xFFFFFFE0 ss:$0x1] =	vst.idx.msk $0xffff, v5  }
0x42: {  	v7 =	vld.idx.msk [tilespmem:v1+s17+$0xFFFFFFA0 ss:$0x1], $0xffff;
	[tilespmem:v0+s18+$0xFFFFFFF0 ss:$0x1] =	vst.idx.msk $0xffff, v4  }
.Ltmp3:
0x43: {  	v5 =	vld.idx.msk [tilespmem:v1+s17+$0xFFFFFFB0 ss:$0x1], $0xffff;
	[tilespmem:v0+s18+$0x0 ss:$0x1] =	vst.idx.msk $0xffff, v2;
	(pc) =	sbr.rel @p1 .LBB1_3-.Ltmp3, $4  }
0x44: {  	v4 =	vld.idx.msk [tilespmem:v1+s17+$0xFFFFFFC0 ss:$0x1], $0xffff;
	[tilespmem:v0+s18+$0x10 ss:$0x1] =	vst.idx.msk $0xffff, v3  }
0x45: {  	v2 =	vld.idx.msk [tilespmem:v1+s17+$0xFFFFFFD0 ss:$0x1], $0xffff;
	[tilespmem:v0+s18+$0x20 ss:$0x1] =	vst.idx.msk $0xffff, v6;
	s18 =	smov.u32 s17  }
0x46: {  	v3 =	vld.idx.msk [tilespmem:v1+s18+$0xFFFFFFE0 ss:$0x1], $0xffff;
	[tilespmem:v0+s18+$0x30 ss:$0x1] =	vst.idx.msk $0xffff, v8  }
0x47: {  	s17 =	sshra.s32 s19, $0x2;
	s19 =	sadd.s32 $0x200, s19;
	[tilespmem:v0+s18+$0xFFFFFFC0 ss:$0x1] =	vst.idx.msk $0xffff, v9;
	v6 =	vld.idx.msk [tilespmem:v1+s18+$0xFFFFFFF0 ss:$0x1], $0xffff  }
0x48: {  	s19 =	sshrl.u32 s15, $0x3  }
0x49: {  	s20 =	sshll.u32 s14, $0x3;
	s19 =	smul.u32 $0x1400, s19  }
0x4a: {  	s26 =	sshll.u32 s15, $0x7;
	s20 =	sand.u32 $0xFFFFFC00, s20  }
0x4b: {  	s15 =	sand.u32 $0x380, s26;
	s19 =	sadd.s32 s19, s20  }
0x4c: {  	[tilespmem:v0+s18+$0xFFFFFFD0 ss:$0x1] =	vst.idx.msk $0xffff, v7;
	s27 =	sand.u32 $0x7F, s14;
	s15 =	sor.u32 s15, s19  }
0x4d: {  	v56 =	vld.idx.msk [tilespmem:v1+s17+$0x0 ss:$0x1], $0xffff;
	[tilespmem:v0+s18+$0xFFFFFFE0 ss:$0x1] =	vst.idx.msk $0xffff, v5;
	s14 =	sor.u32 s27, s15;
	s15 =	smulhi.u32 $0xCCCCCCCD, s15  }
0x4e: {  	v57 =	vld.idx.msk [tilespmem:v1+s17+$0xFFFFFF90 ss:$0x1], $0xffff;
	[tilespmem:v0+s18+$0xFFFFFFF0 ss:$0x1] =	vst.idx.msk $0xffff, v4  }
0x4f: {  	v58 =	vld.idx.msk [tilespmem:v1+s17+$0xFFFFFFA0 ss:$0x1], $0xffff;
	s13 =	smul.u32 $0x64000, s13;
	[tilespmem:v0+s18+$0x0 ss:$0x1] =	vst.idx.msk $0xffff, v2;
	s15 =	sshrl.u32 s15, $0x9  }
0x50: {  	v59 =	vld.idx.msk [tilespmem:v1+s17+$0xFFFFFFB0 ss:$0x1], $0xffff;
	[tilespmem:v0+s18+$0x10 ss:$0x1] =	vst.idx.msk $0xffff, v3;
	s30 =	smulhi.u32 $0x666667, s15  }
0x51: {  	v60 =	vld.idx.msk [tilespmem:v1+s17+$0xFFFFFFC0 ss:$0x1], $0xffff;
	[tilespmem:v0+s18+$0x20 ss:$0x1] =	vst.idx.msk $0xffff, v6;
	s28 =	smulhi.u32 $0xCCCCCCCD, s14  }
0x52: {  	v61 =	vld.idx.msk [tilespmem:v1+s17+$0xFFFFFFD0 ss:$0x1], $0xffff;
	[tilespmem:v0+s17+$0x30 ss:$0x1] =	vst.idx.msk $0xffff, v56;
	s19 =	smul.u32 $0x280, s30  }
0x53: {  	v62 =	vld.idx.msk [tilespmem:v1+s17+$0xFFFFFFE0 ss:$0x1], $0xffff;
	s12 =	smul.u32 $0xC800, s12;
	[tilespmem:v0+s17+$0xFFFFFFC0 ss:$0x1] =	vst.idx.msk $0xffff, v57;
	s29 =	sshrl.u32 s28, $0x9  }
0x54: {  	v63 =	vld.idx.msk [tilespmem:v1+s17+$0xFFFFFFF0 ss:$0x1], $0xffff;
	[tilespmem:v0+s17+$0xFFFFFFD0 ss:$0x1] =	vst.idx.msk $0xffff, v58;
	s18 =	smul.u32 $0x280, s29;
	s15 =	ssub.s32 s15, s19  }
0x55: {  	[tilespmem:v0+s17+$0xFFFFFFE0 ss:$0x1] =	vst.idx.msk $0xffff, v59;
	s15 =	smul.u32 $0x50, s15  }
.Ltmp4:
0x56: {  	s13 =	sadd.s32 s2, s13;
	[tilespmem:v0+s17+$0xFFFFFFF0 ss:$0x1] =	vst.idx.msk $0xffff, v60;
	s14 =	ssub.s32 s14, s18;
	(pc) =	sbr.rel .LBB1_5-.Ltmp4, $4  }
0x57: {  	s12 =	sadd.s32 s12, s13;
	[tilespmem:v0+s17+$0x0 ss:$0x1] =	vst.idx.msk $0xffff, v61;
	s31 =	sand.u32 $0x7, s14  }
0x58: {  	[tilespmem:v0+s17+$0x10 ss:$0x1] =	vst.idx.msk $0xffff, v62;
	s14 =	sshrl.u32 s14, $0x3;
	s13 =	sshll.u32 s31, $0x12;
	s12 =	sadd.s32 s15, s12  }
0x59: {  	[tilespmem:v0+s17+$0x20 ss:$0x1] =	vst.idx.msk $0xffff, v63;
	s13 =	sor.u32 $0x400, s13;
	s12 =	sadd.s32 s14, s12  }
0x5a: {  	[hbm4b:s12+s13] =	stream.strided.scatter [tilespmem:s16], [sflag:$0x2], $0x4000, s6, s13, $0x38;
	[tilespmem:$0x10000] =	vst v63  }
.LBB1_6:
0x5b: {  	_ =	sfence.sel $0x180000  }
0x5c: {  	s2 =	simm.s32 $0x1;
	[bflag:$0x0] =	sbarrier.arrive $0xFFFF  }
0x5d: {  	s31 =	simm.s32 $0x2;
	[sflag:s2] =	ssyncpa.u1 $0x1  }
0x5e: {  	[sflag:s31] =	ssyncpa.u1 $0x1  }
0x5f: {  	p0 =	sne.s32 s1, $0x0;
	_ =	strace $0x9000004A  }
0x60: {  	s0 =	sadd.s32 @!p0 $0x100000, s0;
	[bflag:$0x2] =	sbarrier.arrive $0xFFFF  }
0x61: {  	[sflag:s0] =	ssyncadd.tile.s32 @!p0 $0x1;
	_ =	shalt  }
.Lfunc_end1:
_tile_overlayer_lowered:
.L_overlay_start_2:
0x62: {  	(tag) =	ssettag $0x2  }
0x63: {  	s0 =	rddreg [dreg:$0x0];
	s2 =	stileid.u32  }
0x64: {  	s1 =	rddreg [dreg:$0x1];
	p0 =	sne.s32 s2, $0x0  }
0x65: {  	s3 =	rddreg [dreg:$0x2];
	[bflag:$0x3] =	sbarrier.arrive $0xFFFF;
	s2 =	simm.s32 @!p0 $0x1C01  }
0x66: {  	[timem:s3], [sflag:s2] =	dma.local @!p0 [hbm:s0], s1  }
0x67: {  	s0 =	simm.s32 @!p0 $0x1  }
0x68: {  	_ =	swait.ge @!p0 [sflag:s0], s1  }
0x69: {  	s1 =	ssub.s32 @!p0 $0x0, s1;
	[sflag:s0] =	ssyncset.done @!p0 $0x0  }
0x6a: {  	[sflag:s0] =	ssyncadd.s32 @!p0 s1  }
0x6b: {  	[bflag:$0x3] =	sbarrier.arrive $0xFFFF  }
0x6c: {  	_ =	shalt  }

</sc_bundles>
